<compile_context>
chip_gen: v7x
topology: tpu7x:2x2x1
jax: 0.10.2.dev20260603
libtpu: 0.0.44.dev20260713+nightly
codegen_flags: <defaults>
</compile_context>

<pallas_src>
import functools

import jax
import jax.numpy as jnp
from jax import lax
from jax.experimental import pallas as pl
from jax.experimental.pallas import tpu as pltpu
from jax.experimental.pallas import tpu_sc as plsc

_NUM_CODES = 64
_HIDDEN = 768
_BATCH = 1024


@functools.cache
def _make_sc_broadcast():
    info = plsc.get_sparse_core_info()
    nw = info.num_cores * info.num_subcores
    b_per_w = _BATCH // nw
    mesh = plsc.VectorSubcoreMesh(core_axis_name="c", subcore_axis_name="s")

    @functools.partial(
        pl.kernel,
        mesh=mesh,
        out_type=jax.ShapeDtypeStruct((_BATCH, _NUM_CODES, _HIDDEN), jnp.float32),
        scratch_types=[
            pltpu.VMEM((_NUM_CODES, _HIDDEN), jnp.float32),
            pltpu.SemaphoreType.DMA,
        ],
    )
    def sc_fill(tgt_hbm, out_t, buf_t, sem):
        wid = lax.axis_index("s") * info.num_cores + lax.axis_index("c")
        base = wid * b_per_w
        pltpu.sync_copy(tgt_hbm, buf_t)
        handles = []
        for i in range(b_per_w):
            handles.append(pltpu.async_copy(buf_t, out_t.at[base + i], sem))
        for h in handles:
            h.wait()

    return sc_fill


_TC_ROWS = 8


def _tc_body(w_ref, o_ref):
    o_ref[...] = jnp.broadcast_to(w_ref[...][None], o_ref.shape)


@functools.cache
def _make_tc_broadcast():
    return pl.pallas_call(
        _tc_body,
        grid=(_BATCH // _TC_ROWS,),
        in_specs=[pl.BlockSpec((_NUM_CODES, _HIDDEN), lambda i: (0, 0))],
        out_specs=pl.BlockSpec(
            (_TC_ROWS, _NUM_CODES, _HIDDEN), lambda i: (i, 0, 0)
        ),
        out_shape=jax.ShapeDtypeStruct(
            (_BATCH, _NUM_CODES, _HIDDEN), jnp.float32
        ),
    )


def kernel(W_standard, W_target, batch_size):
    del batch_size
    out_t = _make_sc_broadcast()(W_target)
    out_s = _make_tc_broadcast()(W_standard)
    return (out_s, out_t)

# --- scband reference (transcript-rebuilt; emitter-appended) ---
"""Pipeline reference for scband-code-embeddings-5961414607588 (READ-ONLY COPY).

The authoritative reference and input builder live on the scoring server;
editing this copy changes nothing except your own understanding.
"""

import jax, jax.numpy as jnp
import numpy as np

NUM_CODES = 64
HIDDEN = 768
BATCH = 1024

def _xavier_normal(key, shape):
    fan_in, fan_out = shape[0], shape[1]
    std = float(np.sqrt(2.0 / (fan_in + fan_out)))
    return jax.random.normal(key, shape, dtype=jnp.float32) * std

def setup_inputs(seed: int = 0) -> dict:
    key = jax.random.key(seed)
    k1, k2 = jax.random.split(key)
    W_standard = _xavier_normal(k1, (NUM_CODES, HIDDEN))
    W_target = _xavier_normal(k2, (NUM_CODES, HIDDEN))
    return {"W_standard": W_standard, "W_target": W_target, "batch_size": BATCH}

def reference(W_standard, W_target, batch_size):
    # Faithful translation of CodeEmbeddings.forward with mwe=False,
    # poly_type='distinct_codes': look up arange(num_codes) ids expanded
    # over the batch in both the 'standard' and 'target' embedding tables.
    num_codes = W_standard.shape[0]
    batch_zero = (jnp.asarray(batch_size) - jnp.asarray(batch_size)).astype(jnp.int32)
    code_ids = jnp.arange(num_codes, dtype=jnp.int32) + batch_zero
    code_ids = jnp.broadcast_to(code_ids[None, :], (BATCH, num_codes))
    standard_embeddings = jnp.take(W_standard, code_ids, axis=0)
    target_embeddings = jnp.take(W_target, code_ids, axis=0)
    return (standard_embeddings, target_embeddings)

if __name__ == "__main__":
    import jax
    _d = setup_inputs()
    print(jax.jit(kernel)(*tuple(_d.values())))

</pallas_src>

<mosaic_0001>
#map = affine_map<(d0, d1) -> (0, 0)>
#map1 = affine_map<(d0, d1) -> (0, 0, 0)>
module attributes {stable_mosaic.version = 14 : i64} {
  func.func @sc_fill(%arg0: i32, %arg1: i32, %arg2: memref<64x768xf32, #tpu.memory_space<hbm>>, %arg3: memref<1024x64x768xf32, #tpu.memory_space<hbm>>, %arg4: memref<64x768xf32, #tpu.memory_space<vmem>>, %arg5: memref<!tpu.dma_semaphore, #tpu.memory_space<semaphore_mem>>) attributes {dimension_semantics = [#tpu.dimension_semantics<core_parallel>, #tpu.dimension_semantics<subcore_parallel>], iteration_bounds = array<i64: 2, 16>, scalar_prefetch = 0 : i64, scratch_operands = 2 : i64, tpu.core_type = #tpu.core_type<sc_vector_subcore>, window_params = [{transform_indices = #map}, {transform_indices = #map1}]} {
    %mul3A = arith.constant 2 : i32
    %mul3A_0 = arith.muli %arg1, %mul3A : i32
    %add3A = arith.addi %mul3A_0, %arg0 : i32
    %mul3A_1 = arith.constant 32 : i32
    %mul3A_2 = arith.muli %add3A, %mul3A_1 : i32
    "tpu.region"() ({
      %run_scoped3A = tpu.sem_alloc : memref<!tpu.dma_semaphore, #tpu.memory_space<semaphore_mem>>
      tpu.enqueue_dma source(%arg2 : memref<64x768xf32, #tpu.memory_space<hbm>>) target(%arg4 : memref<64x768xf32, #tpu.memory_space<vmem>>) target_semaphore(%run_scoped3A : memref<!tpu.dma_semaphore, #tpu.memory_space<semaphore_mem>>)
      tpu.wait_dma2 semaphore(%run_scoped3A : memref<!tpu.dma_semaphore, #tpu.memory_space<semaphore_mem>>) src(%arg2 : memref<64x768xf32, #tpu.memory_space<hbm>>) dst(%arg4 : memref<64x768xf32, #tpu.memory_space<vmem>>)
      tpu.yield
    }) : () -> ()
    %add3A_3 = arith.constant 0 : i32
    %add3A_4 = arith.addi %mul3A_2, %add3A_3 : i32
    %dma_start3A = arith.constant 0 : i32
    %dma_start3A_5 = arith.constant 0 : i32
    %dma_start3A_6 = tpu.memref_slice %arg3[%add3A_4, %dma_start3A, %dma_start3A_5] : memref<1024x64x768xf32, #tpu.memory_space<hbm>> -> memref<1x64x768xf32, #tpu.memory_space<hbm>>
    %dma_start3A_7 = tpu.memref_squeeze %dma_start3A_6 : memref<1x64x768xf32, #tpu.memory_space<hbm>> -> memref<64x768xf32, #tpu.memory_space<hbm>>
    %dma_start3A_8 = arith.constant 0 : i32
    %dma_start3A_9 = arith.constant 0 : i32
    %dma_start3A_10 = tpu.memref_slice %arg3[%add3A_4, %dma_start3A_8, %dma_start3A_9] : memref<1024x64x768xf32, #tpu.memory_space<hbm>> -> memref<1x64x768xf32, #tpu.memory_space<hbm>>
    %dma_start3A_11 = tpu.memref_squeeze %dma_start3A_10 : memref<1x64x768xf32, #tpu.memory_space<hbm>> -> memref<64x768xf32, #tpu.memory_space<hbm>>
    tpu.enqueue_dma source(%arg4 : memref<64x768xf32, #tpu.memory_space<vmem>>) target(%dma_start3A_11 : memref<64x768xf32, #tpu.memory_space<hbm>>) target_semaphore(%arg5 : memref<!tpu.dma_semaphore, #tpu.memory_space<semaphore_mem>>)
    %add3A_12 = arith.constant 1 : i32
    %add3A_13 = arith.addi %mul3A_2, %add3A_12 : i32
    %dma_start3A_14 = arith.constant 0 : i32
    %dma_start3A_15 = arith.constant 0 : i32
    %dma_start3A_16 = tpu.memref_slice %arg3[%add3A_13, %dma_start3A_14, %dma_start3A_15] : memref<1024x64x768xf32, #tpu.memory_space<hbm>> -> memref<1x64x768xf32, #tpu.memory_space<hbm>>
    %dma_start3A_17 = tpu.memref_squeeze %dma_start3A_16 : memref<1x64x768xf32, #tpu.memory_space<hbm>> -> memref<64x768xf32, #tpu.memory_space<hbm>>
    %dma_start3A_18 = arith.constant 0 : i32
    %dma_start3A_19 = arith.constant 0 : i32
    %dma_start3A_20 = tpu.memref_slice %arg3[%add3A_13, %dma_start3A_18, %dma_start3A_19] : memref<1024x64x768xf32, #tpu.memory_space<hbm>> -> memref<1x64x768xf32, #tpu.memory_space<hbm>>
    %dma_start3A_21 = tpu.memref_squeeze %dma_start3A_20 : memref<1x64x768xf32, #tpu.memory_space<hbm>> -> memref<64x768xf32, #tpu.memory_space<hbm>>
    tpu.enqueue_dma source(%arg4 : memref<64x768xf32, #tpu.memory_space<vmem>>) target(%dma_start3A_21 : memref<64x768xf32, #tpu.memory_space<hbm>>) target_semaphore(%arg5 : memref<!tpu.dma_semaphore, #tpu.memory_space<semaphore_mem>>)
    %add3A_22 = arith.constant 2 : i32
    %add3A_23 = arith.addi %mul3A_2, %add3A_22 : i32
    %dma_start3A_24 = arith.constant 0 : i32
    %dma_start3A_25 = arith.constant 0 : i32
    %dma_start3A_26 = tpu.memref_slice %arg3[%add3A_23, %dma_start3A_24, %dma_start3A_25] : memref<1024x64x768xf32, #tpu.memory_space<hbm>> -> memref<1x64x768xf32, #tpu.memory_space<hbm>>
    %dma_start3A_27 = tpu.memref_squeeze %dma_start3A_26 : memref<1x64x768xf32, #tpu.memory_space<hbm>> -> memref<64x768xf32, #tpu.memory_space<hbm>>
    %dma_start3A_28 = arith.constant 0 : i32
    %dma_start3A_29 = arith.constant 0 : i32
    %dma_start3A_30 = tpu.memref_slice %arg3[%add3A_23, %dma_start3A_28, %dma_start3A_29] : memref<1024x64x768xf32, #tpu.memory_space<hbm>> -> memref<1x64x768xf32, #tpu.memory_space<hbm>>
    %dma_start3A_31 = tpu.memref_squeeze %dma_start3A_30 : memref<1x64x768xf32, #tpu.memory_space<hbm>> -> memref<64x768xf32, #tpu.memory_space<hbm>>
    tpu.enqueue_dma source(%arg4 : memref<64x768xf32, #tpu.memory_space<vmem>>) target(%dma_start3A_31 : memref<64x768xf32, #tpu.memory_space<hbm>>) target_semaphore(%arg5 : memref<!tpu.dma_semaphore, #tpu.memory_space<semaphore_mem>>)
    %add3A_32 = arith.constant 3 : i32
    %add3A_33 = arith.addi %mul3A_2, %add3A_32 : i32
    %dma_start3A_34 = arith.constant 0 : i32
    %dma_start3A_35 = arith.constant 0 : i32
    %dma_start3A_36 = tpu.memref_slice %arg3[%add3A_33, %dma_start3A_34, %dma_start3A_35] : memref<1024x64x768xf32, #tpu.memory_space<hbm>> -> memref<1x64x768xf32, #tpu.memory_space<hbm>>
    %dma_start3A_37 = tpu.memref_squeeze %dma_start3A_36 : memref<1x64x768xf32, #tpu.memory_space<hbm>> -> memref<64x768xf32, #tpu.memory_space<hbm>>
    %dma_start3A_38 = arith.constant 0 : i32
    %dma_start3A_39 = arith.constant 0 : i32
    %dma_start3A_40 = tpu.memref_slice %arg3[%add3A_33, %dma_start3A_38, %dma_start3A_39] : memref<1024x64x768xf32, #tpu.memory_space<hbm>> -> memref<1x64x768xf32, #tpu.memory_space<hbm>>
    %dma_start3A_41 = tpu.memref_squeeze %dma_start3A_40 : memref<1x64x768xf32, #tpu.memory_space<hbm>> -> memref<64x768xf32, #tpu.memory_space<hbm>>
    tpu.enqueue_dma source(%arg4 : memref<64x768xf32, #tpu.memory_space<vmem>>) target(%dma_start3A_41 : memref<64x768xf32, #tpu.memory_space<hbm>>) target_semaphore(%arg5 : memref<!tpu.dma_semaphore, #tpu.memory_space<semaphore_mem>>)
    %add3A_42 = arith.constant 4 : i32
    %add3A_43 = arith.addi %mul3A_2, %add3A_42 : i32
    %dma_start3A_44 = arith.constant 0 : i32
    %dma_start3A_45 = arith.constant 0 : i32
    %dma_start3A_46 = tpu.memref_slice %arg3[%add3A_43, %dma_start3A_44, %dma_start3A_45] : memref<1024x64x768xf32, #tpu.memory_space<hbm>> -> memref<1x64x768xf32, #tpu.memory_space<hbm>>
    %dma_start3A_47 = tpu.memref_squeeze %dma_start3A_46 : memref<1x64x768xf32, #tpu.memory_space<hbm>> -> memref<64x768xf32, #tpu.memory_space<hbm>>
    %dma_start3A_48 = arith.constant 0 : i32
    %dma_start3A_49 = arith.constant 0 : i32
    %dma_start3A_50 = tpu.memref_slice %arg3[%add3A_43, %dma_start3A_48, %dma_start3A_49] : memref<1024x64x768xf32, #tpu.memory_space<hbm>> -> memref<1x64x768xf32, #tpu.memory_space<hbm>>
    %dma_start3A_51 = tpu.memref_squeeze %dma_start3A_50 : memref<1x64x768xf32, #tpu.memory_space<hbm>> -> memref<64x768xf32, #tpu.memory_space<hbm>>
    tpu.enqueue_dma source(%arg4 : memref<64x768xf32, #tpu.memory_space<vmem>>) target(%dma_start3A_51 : memref<64x768xf32, #tpu.memory_space<hbm>>) target_semaphore(%arg5 : memref<!tpu.dma_semaphore, #tpu.memory_space<semaphore_mem>>)
    %add3A_52 = arith.constant 5 : i32
    %add3A_53 = arith.addi %mul3A_2, %add3A_52 : i32
    %dma_start3A_54 = arith.constant 0 : i32
    %dma_start3A_55 = arith.constant 0 : i32
    %dma_start3A_56 = tpu.memref_slice %arg3[%add3A_53, %dma_start3A_54, %dma_start3A_55] : memref<1024x64x768xf32, #tpu.memory_space<hbm>> -> memref<1x64x768xf32, #tpu.memory_space<hbm>>
    %dma_start3A_57 = tpu.memref_squeeze %dma_start3A_56 : memref<1x64x768xf32, #tpu.memory_space<hbm>> -> memref<64x768xf32, #tpu.memory_space<hbm>>
    %dma_start3A_58 = arith.constant 0 : i32
    %dma_start3A_59 = arith.constant 0 : i32
    %dma_start3A_60 = tpu.memref_slice %arg3[%add3A_53, %dma_start3A_58, %dma_start3A_59] : memref<1024x64x768xf32, #tpu.memory_space<hbm>> -> memref<1x64x768xf32, #tpu.memory_space<hbm>>
    %dma_start3A_61 = tpu.memref_squeeze %dma_start3A_60 : memref<1x64x768xf32, #tpu.memory_space<hbm>> -> memref<64x768xf32, #tpu.memory_space<hbm>>
    tpu.enqueue_dma source(%arg4 : memref<64x768xf32, #tpu.memory_space<vmem>>) target(%dma_start3A_61 : memref<64x768xf32, #tpu.memory_space<hbm>>) target_semaphore(%arg5 : memref<!tpu.dma_semaphore, #tpu.memory_space<semaphore_mem>>)
    %add3A_62 = arith.constant 6 : i32
    %add3A_63 = arith.addi %mul3A_2, %add3A_62 : i32
    %dma_start3A_64 = arith.constant 0 : i32
    %dma_start3A_65 = arith.constant 0 : i32
    %dma_start3A_66 = tpu.memref_slice %arg3[%add3A_63, %dma_start3A_64, %dma_start3A_65] : memref<1024x64x768xf32, #tpu.memory_space<hbm>> -> memref<1x64x768xf32, #tpu.memory_space<hbm>>
    %dma_start3A_67 = tpu.memref_squeeze %dma_start3A_66 : memref<1x64x768xf32, #tpu.memory_space<hbm>> -> memref<64x768xf32, #tpu.memory_space<hbm>>
    %dma_start3A_68 = arith.constant 0 : i32
    %dma_start3A_69 = arith.constant 0 : i32
    %dma_start3A_70 = tpu.memref_slice %arg3[%add3A_63, %dma_start3A_68, %dma_start3A_69] : memref<1024x64x768xf32, #tpu.memory_space<hbm>> -> memref<1x64x768xf32, #tpu.memory_space<hbm>>
    %dma_start3A_71 = tpu.memref_squeeze %dma_start3A_70 : memref<1x64x768xf32, #tpu.memory_space<hbm>> -> memref<64x768xf32, #tpu.memory_space<hbm>>
    tpu.enqueue_dma source(%arg4 : memref<64x768xf32, #tpu.memory_space<vmem>>) target(%dma_start3A_71 : memref<64x768xf32, #tpu.memory_space<hbm>>) target_semaphore(%arg5 : memref<!tpu.dma_semaphore, #tpu.memory_space<semaphore_mem>>)
    %add3A_72 = arith.constant 7 : i32
    %add3A_73 = arith.addi %mul3A_2, %add3A_72 : i32
    %dma_start3A_74 = arith.constant 0 : i32
    %dma_start3A_75 = arith.constant 0 : i32
    %dma_start3A_76 = tpu.memref_slice %arg3[%add3A_73, %dma_start3A_74, %dma_start3A_75] : memref<1024x64x768xf32, #tpu.memory_space<hbm>> -> memref<1x64x768xf32, #tpu.memory_space<hbm>>
    %dma_start3A_77 = tpu.memref_squeeze %dma_start3A_76 : memref<1x64x768xf32, #tpu.memory_space<hbm>> -> memref<64x768xf32, #tpu.memory_space<hbm>>
    %dma_start3A_78 = arith.constant 0 : i32
    %dma_start3A_79 = arith.constant 0 : i32
    %dma_start3A_80 = tpu.memref_slice %arg3[%add3A_73, %dma_start3A_78, %dma_start3A_79] : memref<1024x64x768xf32, #tpu.memory_space<hbm>> -> memref<1x64x768xf32, #tpu.memory_space<hbm>>
    %dma_start3A_81 = tpu.memref_squeeze %dma_start3A_80 : memref<1x64x768xf32, #tpu.memory_space<hbm>> -> memref<64x768xf32, #tpu.memory_space<hbm>>
    tpu.enqueue_dma source(%arg4 : memref<64x768xf32, #tpu.memory_space<vmem>>) target(%dma_start3A_81 : memref<64x768xf32, #tpu.memory_space<hbm>>) target_semaphore(%arg5 : memref<!tpu.dma_semaphore, #tpu.memory_space<semaphore_mem>>)
    %add3A_82 = arith.constant 8 : i32
    %add3A_83 = arith.addi %mul3A_2, %add3A_82 : i32
    %dma_start3A_84 = arith.constant 0 : i32
    %dma_start3A_85 = arith.constant 0 : i32
    %dma_start3A_86 = tpu.memref_slice %arg3[%add3A_83, %dma_start3A_84, %dma_start3A_85] : memref<1024x64x768xf32, #tpu.memory_space<hbm>> -> memref<1x64x768xf32, #tpu.memory_space<hbm>>
    %dma_start3A_87 = tpu.memref_squeeze %dma_start3A_86 : memref<1x64x768xf32, #tpu.memory_space<hbm>> -> memref<64x768xf32, #tpu.memory_space<hbm>>
    %dma_start3A_88 = arith.constant 0 : i32
    %dma_start3A_89 = arith.constant 0 : i32
    %dma_start3A_90 = tpu.memref_slice %arg3[%add3A_83, %dma_start3A_88, %dma_start3A_89] : memref<1024x64x768xf32, #tpu.memory_space<hbm>> -> memref<1x64x768xf32, #tpu.memory_space<hbm>>
    %dma_start3A_91 = tpu.memref_squeeze %dma_start3A_90 : memref<1x64x768xf32, #tpu.memory_space<hbm>> -> memref<64x768xf32, #tpu.memory_space<hbm>>
    tpu.enqueue_dma source(%arg4 : memref<64x768xf32, #tpu.memory_space<vmem>>) target(%dma_start3A_91 : memref<64x768xf32, #tpu.memory_space<hbm>>) target_semaphore(%arg5 : memref<!tpu.dma_semaphore, #tpu.memory_space<semaphore_mem>>)
    %add3A_92 = arith.constant 9 : i32
    %add3A_93 = arith.addi %mul3A_2, %add3A_92 : i32
    %dma_start3A_94 = arith.constant 0 : i32
    %dma_start3A_95 = arith.constant 0 : i32
    %dma_start3A_96 = tpu.memref_slice %arg3[%add3A_93, %dma_start3A_94, %dma_start3A_95] : memref<1024x64x768xf32, #tpu.memory_space<hbm>> -> memref<1x64x768xf32, #tpu.memory_space<hbm>>
    %dma_start3A_97 = tpu.memref_squeeze %dma_start3A_96 : memref<1x64x768xf32, #tpu.memory_space<hbm>> -> memref<64x768xf32, #tpu.memory_space<hbm>>
    %dma_start3A_98 = arith.constant 0 : i32
    %dma_start3A_99 = arith.constant 0 : i32
    %dma_start3A_100 = tpu.memref_slice %arg3[%add3A_93, %dma_start3A_98, %dma_start3A_99] : memref<1024x64x768xf32, #tpu.memory_space<hbm>> -> memref<1x64x768xf32, #tpu.memory_space<hbm>>
    %dma_start3A_101 = tpu.memref_squeeze %dma_start3A_100 : memref<1x64x768xf32, #tpu.memory_space<hbm>> -> memref<64x768xf32, #tpu.memory_space<hbm>>
    tpu.enqueue_dma source(%arg4 : memref<64x768xf32, #tpu.memory_space<vmem>>) target(%dma_start3A_101 : memref<64x768xf32, #tpu.memory_space<hbm>>) target_semaphore(%arg5 : memref<!tpu.dma_semaphore, #tpu.memory_space<semaphore_mem>>)
    %add3A_102 = arith.constant 10 : i32
    %add3A_103 = arith.addi %mul3A_2, %add3A_102 : i32
    %dma_start3A_104 = arith.constant 0 : i32
    %dma_start3A_105 = arith.constant 0 : i32
    %dma_start3A_106 = tpu.memref_slice %arg3[%add3A_103, %dma_start3A_104, %dma_start3A_105] : memref<1024x64x768xf32, #tpu.memory_space<hbm>> -> memref<1x64x768xf32, #tpu.memory_space<hbm>>
    %dma_start3A_107 = tpu.memref_squeeze %dma_start3A_106 : memref<1x64x768xf32, #tpu.memory_space<hbm>> -> memref<64x768xf32, #tpu.memory_space<hbm>>
    %dma_start3A_108 = arith.constant 0 : i32
    %dma_start3A_109 = arith.constant 0 : i32
    %dma_start3A_110 = tpu.memref_slice %arg3[%add3A_103, %dma_start3A_108, %dma_start3A_109] : memref<1024x64x768xf32, #tpu.memory_space<hbm>> -> memref<1x64x768xf32, #tpu.memory_space<hbm>>
    %dma_start3A_111 = tpu.memref_squeeze %dma_start3A_110 : memref<1x64x768xf32, #tpu.memory_space<hbm>> -> memref<64x768xf32, #tpu.memory_space<hbm>>
    tpu.enqueue_dma source(%arg4 : memref<64x768xf32, #tpu.memory_space<vmem>>) target(%dma_start3A_111 : memref<64x768xf32, #tpu.memory_space<hbm>>) target_semaphore(%arg5 : memref<!tpu.dma_semaphore, #tpu.memory_space<semaphore_mem>>)
    %add3A_112 = arith.constant 11 : i32
    %add3A_113 = arith.addi %mul3A_2, %add3A_112 : i32
    %dma_start3A_114 = arith.constant 0 : i32
    %dma_start3A_115 = arith.constant 0 : i32
    %dma_start3A_116 = tpu.memref_slice %arg3[%add3A_113, %dma_start3A_114, %dma_start3A_115] : memref<1024x64x768xf32, #tpu.memory_space<hbm>> -> memref<1x64x768xf32, #tpu.memory_space<hbm>>
    %dma_start3A_117 = tpu.memref_squeeze %dma_start3A_116 : memref<1x64x768xf32, #tpu.memory_space<hbm>> -> memref<64x768xf32, #tpu.memory_space<hbm>>
    %dma_start3A_118 = arith.constant 0 : i32
    %dma_start3A_119 = arith.constant 0 : i32
    %dma_start3A_120 = tpu.memref_slice %arg3[%add3A_113, %dma_start3A_118, %dma_start3A_119] : memref<1024x64x768xf32, #tpu.memory_space<hbm>> -> memref<1x64x768xf32, #tpu.memory_space<hbm>>
    %dma_start3A_121 = tpu.memref_squeeze %dma_start3A_120 : memref<1x64x768xf32, #tpu.memory_space<hbm>> -> memref<64x768xf32, #tpu.memory_space<hbm>>
    tpu.enqueue_dma source(%arg4 : memref<64x768xf32, #tpu.memory_space<vmem>>) target(%dma_start3A_121 : memref<64x768xf32, #tpu.memory_space<hbm>>) target_semaphore(%arg5 : memref<!tpu.dma_semaphore, #tpu.memory_space<semaphore_mem>>)
    %add3A_122 = arith.constant 12 : i32
    %add3A_123 = arith.addi %mul3A_2, %add3A_122 : i32
    %dma_start3A_124 = arith.constant 0 : i32
    %dma_start3A_125 = arith.constant 0 : i32
    %dma_start3A_126 = tpu.memref_slice %arg3[%add3A_123, %dma_start3A_124, %dma_start3A_125] : memref<1024x64x768xf32, #tpu.memory_space<hbm>> -> memref<1x64x768xf32, #tpu.memory_space<hbm>>
    %dma_start3A_127 = tpu.memref_squeeze %dma_start3A_126 : memref<1x64x768xf32, #tpu.memory_space<hbm>> -> memref<64x768xf32, #tpu.memory_space<hbm>>
    %dma_start3A_128 = arith.constant 0 : i32
    %dma_start3A_129 = arith.constant 0 : i32
    %dma_start3A_130 = tpu.memref_slice %arg3[%add3A_123, %dma_start3A_128, %dma_start3A_129] : memref<1024x64x768xf32, #tpu.memory_space<hbm>> -> memref<1x64x768xf32, #tpu.memory_space<hbm>>
    %dma_start3A_131 = tpu.memref_squeeze %dma_start3A_130 : memref<1x64x768xf32, #tpu.memory_space<hbm>> -> memref<64x768xf32, #tpu.memory_space<hbm>>
    tpu.enqueue_dma source(%arg4 : memref<64x768xf32, #tpu.memory_space<vmem>>) target(%dma_start3A_131 : memref<64x768xf32, #tpu.memory_space<hbm>>) target_semaphore(%arg5 : memref<!tpu.dma_semaphore, #tpu.memory_space<semaphore_mem>>)
    %add3A_132 = arith.constant 13 : i32
    %add3A_133 = arith.addi %mul3A_2, %add3A_132 : i32
    %dma_start3A_134 = arith.constant 0 : i32
    %dma_start3A_135 = arith.constant 0 : i32
    %dma_start3A_136 = tpu.memref_slice %arg3[%add3A_133, %dma_start3A_134, %dma_start3A_135] : memref<1024x64x768xf32, #tpu.memory_space<hbm>> -> memref<1x64x768xf32, #tpu.memory_space<hbm>>
    %dma_start3A_137 = tpu.memref_squeeze %dma_start3A_136 : memref<1x64x768xf32, #tpu.memory_space<hbm>> -> memref<64x768xf32, #tpu.memory_space<hbm>>
    %dma_start3A_138 = arith.constant 0 : i32
    %dma_start3A_139 = arith.constant 0 : i32
    %dma_start3A_140 = tpu.memref_slice %arg3[%add3A_133, %dma_start3A_138, %dma_start3A_139] : memref<1024x64x768xf32, #tpu.memory_space<hbm>> -> memref<1x64x768xf32, #tpu.memory_space<hbm>>
    %dma_start3A_141 = tpu.memref_squeeze %dma_start3A_140 : memref<1x64x768xf32, #tpu.memory_space<hbm>> -> memref<64x768xf32, #tpu.memory_space<hbm>>
    tpu.enqueue_dma source(%arg4 : memref<64x768xf32, #tpu.memory_space<vmem>>) target(%dma_start3A_141 : memref<64x768xf32, #tpu.memory_space<hbm>>) target_semaphore(%arg5 : memref<!tpu.dma_semaphore, #tpu.memory_space<semaphore_mem>>)
    %add3A_142 = arith.constant 14 : i32
    %add3A_143 = arith.addi %mul3A_2, %add3A_142 : i32
    %dma_start3A_144 = arith.constant 0 : i32
    %dma_start3A_145 = arith.constant 0 : i32
    %dma_start3A_146 = tpu.memref_slice %arg3[%add3A_143, %dma_start3A_144, %dma_start3A_145] : memref<1024x64x768xf32, #tpu.memory_space<hbm>> -> memref<1x64x768xf32, #tpu.memory_space<hbm>>
    %dma_start3A_147 = tpu.memref_squeeze %dma_start3A_146 : memref<1x64x768xf32, #tpu.memory_space<hbm>> -> memref<64x768xf32, #tpu.memory_space<hbm>>
    %dma_start3A_148 = arith.constant 0 : i32
    %dma_start3A_149 = arith.constant 0 : i32
    %dma_start3A_150 = tpu.memref_slice %arg3[%add3A_143, %dma_start3A_148, %dma_start3A_149] : memref<1024x64x768xf32, #tpu.memory_space<hbm>> -> memref<1x64x768xf32, #tpu.memory_space<hbm>>
    %dma_start3A_151 = tpu.memref_squeeze %dma_start3A_150 : memref<1x64x768xf32, #tpu.memory_space<hbm>> -> memref<64x768xf32, #tpu.memory_space<hbm>>
    tpu.enqueue_dma source(%arg4 : memref<64x768xf32, #tpu.memory_space<vmem>>) target(%dma_start3A_151 : memref<64x768xf32, #tpu.memory_space<hbm>>) target_semaphore(%arg5 : memref<!tpu.dma_semaphore, #tpu.memory_space<semaphore_mem>>)
    %add3A_152 = arith.constant 15 : i32
    %add3A_153 = arith.addi %mul3A_2, %add3A_152 : i32
    %dma_start3A_154 = arith.constant 0 : i32
    %dma_start3A_155 = arith.constant 0 : i32
    %dma_start3A_156 = tpu.memref_slice %arg3[%add3A_153, %dma_start3A_154, %dma_start3A_155] : memref<1024x64x768xf32, #tpu.memory_space<hbm>> -> memref<1x64x768xf32, #tpu.memory_space<hbm>>
    %dma_start3A_157 = tpu.memref_squeeze %dma_start3A_156 : memref<1x64x768xf32, #tpu.memory_space<hbm>> -> memref<64x768xf32, #tpu.memory_space<hbm>>
    %dma_start3A_158 = arith.constant 0 : i32
    %dma_start3A_159 = arith.constant 0 : i32
    %dma_start3A_160 = tpu.memref_slice %arg3[%add3A_153, %dma_start3A_158, %dma_start3A_159] : memref<1024x64x768xf32, #tpu.memory_space<hbm>> -> memref<1x64x768xf32, #tpu.memory_space<hbm>>
    %dma_start3A_161 = tpu.memref_squeeze %dma_start3A_160 : memref<1x64x768xf32, #tpu.memory_space<hbm>> -> memref<64x768xf32, #tpu.memory_space<hbm>>
    tpu.enqueue_dma source(%arg4 : memref<64x768xf32, #tpu.memory_space<vmem>>) target(%dma_start3A_161 : memref<64x768xf32, #tpu.memory_space<hbm>>) target_semaphore(%arg5 : memref<!tpu.dma_semaphore, #tpu.memory_space<semaphore_mem>>)
    %add3A_162 = arith.constant 16 : i32
    %add3A_163 = arith.addi %mul3A_2, %add3A_162 : i32
    %dma_start3A_164 = arith.constant 0 : i32
    %dma_start3A_165 = arith.constant 0 : i32
    %dma_start3A_166 = tpu.memref_slice %arg3[%add3A_163, %dma_start3A_164, %dma_start3A_165] : memref<1024x64x768xf32, #tpu.memory_space<hbm>> -> memref<1x64x768xf32, #tpu.memory_space<hbm>>
    %dma_start3A_167 = tpu.memref_squeeze %dma_start3A_166 : memref<1x64x768xf32, #tpu.memory_space<hbm>> -> memref<64x768xf32, #tpu.memory_space<hbm>>
    %dma_start3A_168 = arith.constant 0 : i32
    %dma_start3A_169 = arith.constant 0 : i32
    %dma_start3A_170 = tpu.memref_slice %arg3[%add3A_163, %dma_start3A_168, %dma_start3A_169] : memref<1024x64x768xf32, #tpu.memory_space<hbm>> -> memref<1x64x768xf32, #tpu.memory_space<hbm>>
    %dma_start3A_171 = tpu.memref_squeeze %dma_start3A_170 : memref<1x64x768xf32, #tpu.memory_space<hbm>> -> memref<64x768xf32, #tpu.memory_space<hbm>>
    tpu.enqueue_dma source(%arg4 : memref<64x768xf32, #tpu.memory_space<vmem>>) target(%dma_start3A_171 : memref<64x768xf32, #tpu.memory_space<hbm>>) target_semaphore(%arg5 : memref<!tpu.dma_semaphore, #tpu.memory_space<semaphore_mem>>)
    %add3A_172 = arith.constant 17 : i32
    %add3A_173 = arith.addi %mul3A_2, %add3A_172 : i32
    %dma_start3A_174 = arith.constant 0 : i32
    %dma_start3A_175 = arith.constant 0 : i32
    %dma_start3A_176 = tpu.memref_slice %arg3[%add3A_173, %dma_start3A_174, %dma_start3A_175] : memref<1024x64x768xf32, #tpu.memory_space<hbm>> -> memref<1x64x768xf32, #tpu.memory_space<hbm>>
    %dma_start3A_177 = tpu.memref_squeeze %dma_start3A_176 : memref<1x64x768xf32, #tpu.memory_space<hbm>> -> memref<64x768xf32, #tpu.memory_space<hbm>>
    %dma_start3A_178 = arith.constant 0 : i32
    %dma_start3A_179 = arith.constant 0 : i32
    %dma_start3A_180 = tpu.memref_slice %arg3[%add3A_173, %dma_start3A_178, %dma_start3A_179] : memref<1024x64x768xf32, #tpu.memory_space<hbm>> -> memref<1x64x768xf32, #tpu.memory_space<hbm>>
    %dma_start3A_181 = tpu.memref_squeeze %dma_start3A_180 : memref<1x64x768xf32, #tpu.memory_space<hbm>> -> memref<64x768xf32, #tpu.memory_space<hbm>>
    tpu.enqueue_dma source(%arg4 : memref<64x768xf32, #tpu.memory_space<vmem>>) target(%dma_start3A_181 : memref<64x768xf32, #tpu.memory_space<hbm>>) target_semaphore(%arg5 : memref<!tpu.dma_semaphore, #tpu.memory_space<semaphore_mem>>)
    %add3A_182 = arith.constant 18 : i32
    %add3A_183 = arith.addi %mul3A_2, %add3A_182 : i32
    %dma_start3A_184 = arith.constant 0 : i32
    %dma_start3A_185 = arith.constant 0 : i32
    %dma_start3A_186 = tpu.memref_slice %arg3[%add3A_183, %dma_start3A_184, %dma_start3A_185] : memref<1024x64x768xf32, #tpu.memory_space<hbm>> -> memref<1x64x768xf32, #tpu.memory_space<hbm>>
    %dma_start3A_187 = tpu.memref_squeeze %dma_start3A_186 : memref<1x64x768xf32, #tpu.memory_space<hbm>> -> memref<64x768xf32, #tpu.memory_space<hbm>>
    %dma_start3A_188 = arith.constant 0 : i32
    %dma_start3A_189 = arith.constant 0 : i32
    %dma_start3A_190 = tpu.memref_slice %arg3[%add3A_183, %dma_start3A_188, %dma_start3A_189] : memref<1024x64x768xf32, #tpu.memory_space<hbm>> -> memref<1x64x768xf32, #tpu.memory_space<hbm>>
    %dma_start3A_191 = tpu.memref_squeeze %dma_start3A_190 : memref<1x64x768xf32, #tpu.memory_space<hbm>> -> memref<64x768xf32, #tpu.memory_space<hbm>>
    tpu.enqueue_dma source(%arg4 : memref<64x768xf32, #tpu.memory_space<vmem>>) target(%dma_start3A_191 : memref<64x768xf32, #tpu.memory_space<hbm>>) target_semaphore(%arg5 : memref<!tpu.dma_semaphore, #tpu.memory_space<semaphore_mem>>)
    %add3A_192 = arith.constant 19 : i32
    %add3A_193 = arith.addi %mul3A_2, %add3A_192 : i32
    %dma_start3A_194 = arith.constant 0 : i32
    %dma_start3A_195 = arith.constant 0 : i32
    %dma_start3A_196 = tpu.memref_slice %arg3[%add3A_193, %dma_start3A_194, %dma_start3A_195] : memref<1024x64x768xf32, #tpu.memory_space<hbm>> -> memref<1x64x768xf32, #tpu.memory_space<hbm>>
    %dma_start3A_197 = tpu.memref_squeeze %dma_start3A_196 : memref<1x64x768xf32, #tpu.memory_space<hbm>> -> memref<64x768xf32, #tpu.memory_space<hbm>>
    %dma_start3A_198 = arith.constant 0 : i32
    %dma_start3A_199 = arith.constant 0 : i32
    %dma_start3A_200 = tpu.memref_slice %arg3[%add3A_193, %dma_start3A_198, %dma_start3A_199] : memref<1024x64x768xf32, #tpu.memory_space<hbm>> -> memref<1x64x768xf32, #tpu.memory_space<hbm>>
    %dma_start3A_201 = tpu.memref_squeeze %dma_start3A_200 : memref<1x64x768xf32, #tpu.memory_space<hbm>> -> memref<64x768xf32, #tpu.memory_space<hbm>>
    tpu.enqueue_dma source(%arg4 : memref<64x768xf32, #tpu.memory_space<vmem>>) target(%dma_start3A_201 : memref<64x768xf32, #tpu.memory_space<hbm>>) target_semaphore(%arg5 : memref<!tpu.dma_semaphore, #tpu.memory_space<semaphore_mem>>)
    %add3A_202 = arith.constant 20 : i32
    %add3A_203 = arith.addi %mul3A_2, %add3A_202 : i32
    %dma_start3A_204 = arith.constant 0 : i32
    %dma_start3A_205 = arith.constant 0 : i32
    %dma_start3A_206 = tpu.memref_slice %arg3[%add3A_203, %dma_start3A_204, %dma_start3A_205] : memref<1024x64x768xf32, #tpu.memory_space<hbm>> -> memref<1x64x768xf32, #tpu.memory_space<hbm>>
    %dma_start3A_207 = tpu.memref_squeeze %dma_start3A_206 : memref<1x64x768xf32, #tpu.memory_space<hbm>> -> memref<64x768xf32, #tpu.memory_space<hbm>>
    %dma_start3A_208 = arith.constant 0 : i32
    %dma_start3A_209 = arith.constant 0 : i32
    %dma_start3A_210 = tpu.memref_slice %arg3[%add3A_203, %dma_start3A_208, %dma_start3A_209] : memref<1024x64x768xf32, #tpu.memory_space<hbm>> -> memref<1x64x768xf32, #tpu.memory_space<hbm>>
    %dma_start3A_211 = tpu.memref_squeeze %dma_start3A_210 : memref<1x64x768xf32, #tpu.memory_space<hbm>> -> memref<64x768xf32, #tpu.memory_space<hbm>>
    tpu.enqueue_dma source(%arg4 : memref<64x768xf32, #tpu.memory_space<vmem>>) target(%dma_start3A_211 : memref<64x768xf32, #tpu.memory_space<hbm>>) target_semaphore(%arg5 : memref<!tpu.dma_semaphore, #tpu.memory_space<semaphore_mem>>)
    %add3A_212 = arith.constant 21 : i32
    %add3A_213 = arith.addi %mul3A_2, %add3A_212 : i32
    %dma_start3A_214 = arith.constant 0 : i32
    %dma_start3A_215 = arith.constant 0 : i32
    %dma_start3A_216 = tpu.memref_slice %arg3[%add3A_213, %dma_start3A_214, %dma_start3A_215] : memref<1024x64x768xf32, #tpu.memory_space<hbm>> -> memref<1x64x768xf32, #tpu.memory_space<hbm>>
    %dma_start3A_217 = tpu.memref_squeeze %dma_start3A_216 : memref<1x64x768xf32, #tpu.memory_space<hbm>> -> memref<64x768xf32, #tpu.memory_space<hbm>>
    %dma_start3A_218 = arith.constant 0 : i32
    %dma_start3A_219 = arith.constant 0 : i32
    %dma_start3A_220 = tpu.memref_slice %arg3[%add3A_213, %dma_start3A_218, %dma_start3A_219] : memref<1024x64x768xf32, #tpu.memory_space<hbm>> -> memref<1x64x768xf32, #tpu.memory_space<hbm>>
    %dma_start3A_221 = tpu.memref_squeeze %dma_start3A_220 : memref<1x64x768xf32, #tpu.memory_space<hbm>> -> memref<64x768xf32, #tpu.memory_space<hbm>>
    tpu.enqueue_dma source(%arg4 : memref<64x768xf32, #tpu.memory_space<vmem>>) target(%dma_start3A_221 : memref<64x768xf32, #tpu.memory_space<hbm>>) target_semaphore(%arg5 : memref<!tpu.dma_semaphore, #tpu.memory_space<semaphore_mem>>)
    %add3A_222 = arith.constant 22 : i32
    %add3A_223 = arith.addi %mul3A_2, %add3A_222 : i32
    %dma_start3A_224 = arith.constant 0 : i32
    %dma_start3A_225 = arith.constant 0 : i32
    %dma_start3A_226 = tpu.memref_slice %arg3[%add3A_223, %dma_start3A_224, %dma_start3A_225] : memref<1024x64x768xf32, #tpu.memory_space<hbm>> -> memref<1x64x768xf32, #tpu.memory_space<hbm>>
    %dma_start3A_227 = tpu.memref_squeeze %dma_start3A_226 : memref<1x64x768xf32, #tpu.memory_space<hbm>> -> memref<64x768xf32, #tpu.memory_space<hbm>>
    %dma_start3A_228 = arith.constant 0 : i32
    %dma_start3A_229 = arith.constant 0 : i32
    %dma_start3A_230 = tpu.memref_slice %arg3[%add3A_223, %dma_start3A_228, %dma_start3A_229] : memref<1024x64x768xf32, #tpu.memory_space<hbm>> -> memref<1x64x768xf32, #tpu.memory_space<hbm>>
    %dma_start3A_231 = tpu.memref_squeeze %dma_start3A_230 : memref<1x64x768xf32, #tpu.memory_space<hbm>> -> memref<64x768xf32, #tpu.memory_space<hbm>>
    tpu.enqueue_dma source(%arg4 : memref<64x768xf32, #tpu.memory_space<vmem>>) target(%dma_start3A_231 : memref<64x768xf32, #tpu.memory_space<hbm>>) target_semaphore(%arg5 : memref<!tpu.dma_semaphore, #tpu.memory_space<semaphore_mem>>)
    %add3A_232 = arith.constant 23 : i32
    %add3A_233 = arith.addi %mul3A_2, %add3A_232 : i32
    %dma_start3A_234 = arith.constant 0 : i32
    %dma_start3A_235 = arith.constant 0 : i32
    %dma_start3A_236 = tpu.memref_slice %arg3[%add3A_233, %dma_start3A_234, %dma_start3A_235] : memref<1024x64x768xf32, #tpu.memory_space<hbm>> -> memref<1x64x768xf32, #tpu.memory_space<hbm>>
    %dma_start3A_237 = tpu.memref_squeeze %dma_start3A_236 : memref<1x64x768xf32, #tpu.memory_space<hbm>> -> memref<64x768xf32, #tpu.memory_space<hbm>>
    %dma_start3A_238 = arith.constant 0 : i32
    %dma_start3A_239 = arith.constant 0 : i32
    %dma_start3A_240 = tpu.memref_slice %arg3[%add3A_233, %dma_start3A_238, %dma_start3A_239] : memref<1024x64x768xf32, #tpu.memory_space<hbm>> -> memref<1x64x768xf32, #tpu.memory_space<hbm>>
    %dma_start3A_241 = tpu.memref_squeeze %dma_start3A_240 : memref<1x64x768xf32, #tpu.memory_space<hbm>> -> memref<64x768xf32, #tpu.memory_space<hbm>>
    tpu.enqueue_dma source(%arg4 : memref<64x768xf32, #tpu.memory_space<vmem>>) target(%dma_start3A_241 : memref<64x768xf32, #tpu.memory_space<hbm>>) target_semaphore(%arg5 : memref<!tpu.dma_semaphore, #tpu.memory_space<semaphore_mem>>)
    %add3A_242 = arith.constant 24 : i32
    %add3A_243 = arith.addi %mul3A_2, %add3A_242 : i32
    %dma_start3A_244 = arith.constant 0 : i32
    %dma_start3A_245 = arith.constant 0 : i32
    %dma_start3A_246 = tpu.memref_slice %arg3[%add3A_243, %dma_start3A_244, %dma_start3A_245] : memref<1024x64x768xf32, #tpu.memory_space<hbm>> -> memref<1x64x768xf32, #tpu.memory_space<hbm>>
    %dma_start3A_247 = tpu.memref_squeeze %dma_start3A_246 : memref<1x64x768xf32, #tpu.memory_space<hbm>> -> memref<64x768xf32, #tpu.memory_space<hbm>>
    %dma_start3A_248 = arith.constant 0 : i32
    %dma_start3A_249 = arith.constant 0 : i32
    %dma_start3A_250 = tpu.memref_slice %arg3[%add3A_243, %dma_start3A_248, %dma_start3A_249] : memref<1024x64x768xf32, #tpu.memory_space<hbm>> -> memref<1x64x768xf32, #tpu.memory_space<hbm>>
    %dma_start3A_251 = tpu.memref_squeeze %dma_start3A_250 : memref<1x64x768xf32, #tpu.memory_space<hbm>> -> memref<64x768xf32, #tpu.memory_space<hbm>>
    tpu.enqueue_dma source(%arg4 : memref<64x768xf32, #tpu.memory_space<vmem>>) target(%dma_start3A_251 : memref<64x768xf32, #tpu.memory_space<hbm>>) target_semaphore(%arg5 : memref<!tpu.dma_semaphore, #tpu.memory_space<semaphore_mem>>)
    %add3A_252 = arith.constant 25 : i32
    %add3A_253 = arith.addi %mul3A_2, %add3A_252 : i32
    %dma_start3A_254 = arith.constant 0 : i32
    %dma_start3A_255 = arith.constant 0 : i32
    %dma_start3A_256 = tpu.memref_slice %arg3[%add3A_253, %dma_start3A_254, %dma_start3A_255] : memref<1024x64x768xf32, #tpu.memory_space<hbm>> -> memref<1x64x768xf32, #tpu.memory_space<hbm>>
    %dma_start3A_257 = tpu.memref_squeeze %dma_start3A_256 : memref<1x64x768xf32, #tpu.memory_space<hbm>> -> memref<64x768xf32, #tpu.memory_space<hbm>>
    %dma_start3A_258 = arith.constant 0 : i32
    %dma_start3A_259 = arith.constant 0 : i32
    %dma_start3A_260 = tpu.memref_slice %arg3[%add3A_253, %dma_start3A_258, %dma_start3A_259] : memref<1024x64x768xf32, #tpu.memory_space<hbm>> -> memref<1x64x768xf32, #tpu.memory_space<hbm>>
    %dma_start3A_261 = tpu.memref_squeeze %dma_start3A_260 : memref<1x64x768xf32, #tpu.memory_space<hbm>> -> memref<64x768xf32, #tpu.memory_space<hbm>>
    tpu.enqueue_dma source(%arg4 : memref<64x768xf32, #tpu.memory_space<vmem>>) target(%dma_start3A_261 : memref<64x768xf32, #tpu.memory_space<hbm>>) target_semaphore(%arg5 : memref<!tpu.dma_semaphore, #tpu.memory_space<semaphore_mem>>)
    %add3A_262 = arith.constant 26 : i32
    %add3A_263 = arith.addi %mul3A_2, %add3A_262 : i32
    %dma_start3A_264 = arith.constant 0 : i32
    %dma_start3A_265 = arith.constant 0 : i32
    %dma_start3A_266 = tpu.memref_slice %arg3[%add3A_263, %dma_start3A_264, %dma_start3A_265] : memref<1024x64x768xf32, #tpu.memory_space<hbm>> -> memref<1x64x768xf32, #tpu.memory_space<hbm>>
    %dma_start3A_267 = tpu.memref_squeeze %dma_start3A_266 : memref<1x64x768xf32, #tpu.memory_space<hbm>> -> memref<64x768xf32, #tpu.memory_space<hbm>>
    %dma_start3A_268 = arith.constant 0 : i32
    %dma_start3A_269 = arith.constant 0 : i32
    %dma_start3A_270 = tpu.memref_slice %arg3[%add3A_263, %dma_start3A_268, %dma_start3A_269] : memref<1024x64x768xf32, #tpu.memory_space<hbm>> -> memref<1x64x768xf32, #tpu.memory_space<hbm>>
    %dma_start3A_271 = tpu.memref_squeeze %dma_start3A_270 : memref<1x64x768xf32, #tpu.memory_space<hbm>> -> memref<64x768xf32, #tpu.memory_space<hbm>>
    tpu.enqueue_dma source(%arg4 : memref<64x768xf32, #tpu.memory_space<vmem>>) target(%dma_start3A_271 : memref<64x768xf32, #tpu.memory_space<hbm>>) target_semaphore(%arg5 : memref<!tpu.dma_semaphore, #tpu.memory_space<semaphore_mem>>)
    %add3A_272 = arith.constant 27 : i32
    %add3A_273 = arith.addi %mul3A_2, %add3A_272 : i32
    %dma_start3A_274 = arith.constant 0 : i32
    %dma_start3A_275 = arith.constant 0 : i32
    %dma_start3A_276 = tpu.memref_slice %arg3[%add3A_273, %dma_start3A_274, %dma_start3A_275] : memref<1024x64x768xf32, #tpu.memory_space<hbm>> -> memref<1x64x768xf32, #tpu.memory_space<hbm>>
    %dma_start3A_277 = tpu.memref_squeeze %dma_start3A_276 : memref<1x64x768xf32, #tpu.memory_space<hbm>> -> memref<64x768xf32, #tpu.memory_space<hbm>>
    %dma_start3A_278 = arith.constant 0 : i32
    %dma_start3A_279 = arith.constant 0 : i32
    %dma_start3A_280 = tpu.memref_slice %arg3[%add3A_273, %dma_start3A_278, %dma_start3A_279] : memref<1024x64x768xf32, #tpu.memory_space<hbm>> -> memref<1x64x768xf32, #tpu.memory_space<hbm>>
    %dma_start3A_281 = tpu.memref_squeeze %dma_start3A_280 : memref<1x64x768xf32, #tpu.memory_space<hbm>> -> memref<64x768xf32, #tpu.memory_space<hbm>>
    tpu.enqueue_dma source(%arg4 : memref<64x768xf32, #tpu.memory_space<vmem>>) target(%dma_start3A_281 : memref<64x768xf32, #tpu.memory_space<hbm>>) target_semaphore(%arg5 : memref<!tpu.dma_semaphore, #tpu.memory_space<semaphore_mem>>)
    %add3A_282 = arith.constant 28 : i32
    %add3A_283 = arith.addi %mul3A_2, %add3A_282 : i32
    %dma_start3A_284 = arith.constant 0 : i32
    %dma_start3A_285 = arith.constant 0 : i32
    %dma_start3A_286 = tpu.memref_slice %arg3[%add3A_283, %dma_start3A_284, %dma_start3A_285] : memref<1024x64x768xf32, #tpu.memory_space<hbm>> -> memref<1x64x768xf32, #tpu.memory_space<hbm>>
    %dma_start3A_287 = tpu.memref_squeeze %dma_start3A_286 : memref<1x64x768xf32, #tpu.memory_space<hbm>> -> memref<64x768xf32, #tpu.memory_space<hbm>>
    %dma_start3A_288 = arith.constant 0 : i32
    %dma_start3A_289 = arith.constant 0 : i32
    %dma_start3A_290 = tpu.memref_slice %arg3[%add3A_283, %dma_start3A_288, %dma_start3A_289] : memref<1024x64x768xf32, #tpu.memory_space<hbm>> -> memref<1x64x768xf32, #tpu.memory_space<hbm>>
    %dma_start3A_291 = tpu.memref_squeeze %dma_start3A_290 : memref<1x64x768xf32, #tpu.memory_space<hbm>> -> memref<64x768xf32, #tpu.memory_space<hbm>>
    tpu.enqueue_dma source(%arg4 : memref<64x768xf32, #tpu.memory_space<vmem>>) target(%dma_start3A_291 : memref<64x768xf32, #tpu.memory_space<hbm>>) target_semaphore(%arg5 : memref<!tpu.dma_semaphore, #tpu.memory_space<semaphore_mem>>)
    %add3A_292 = arith.constant 29 : i32
    %add3A_293 = arith.addi %mul3A_2, %add3A_292 : i32
    %dma_start3A_294 = arith.constant 0 : i32
    %dma_start3A_295 = arith.constant 0 : i32
    %dma_start3A_296 = tpu.memref_slice %arg3[%add3A_293, %dma_start3A_294, %dma_start3A_295] : memref<1024x64x768xf32, #tpu.memory_space<hbm>> -> memref<1x64x768xf32, #tpu.memory_space<hbm>>
    %dma_start3A_297 = tpu.memref_squeeze %dma_start3A_296 : memref<1x64x768xf32, #tpu.memory_space<hbm>> -> memref<64x768xf32, #tpu.memory_space<hbm>>
    %dma_start3A_298 = arith.constant 0 : i32
    %dma_start3A_299 = arith.constant 0 : i32
    %dma_start3A_300 = tpu.memref_slice %arg3[%add3A_293, %dma_start3A_298, %dma_start3A_299] : memref<1024x64x768xf32, #tpu.memory_space<hbm>> -> memref<1x64x768xf32, #tpu.memory_space<hbm>>
    %dma_start3A_301 = tpu.memref_squeeze %dma_start3A_300 : memref<1x64x768xf32, #tpu.memory_space<hbm>> -> memref<64x768xf32, #tpu.memory_space<hbm>>
    tpu.enqueue_dma source(%arg4 : memref<64x768xf32, #tpu.memory_space<vmem>>) target(%dma_start3A_301 : memref<64x768xf32, #tpu.memory_space<hbm>>) target_semaphore(%arg5 : memref<!tpu.dma_semaphore, #tpu.memory_space<semaphore_mem>>)
    %add3A_302 = arith.constant 30 : i32
    %add3A_303 = arith.addi %mul3A_2, %add3A_302 : i32
    %dma_start3A_304 = arith.constant 0 : i32
    %dma_start3A_305 = arith.constant 0 : i32
    %dma_start3A_306 = tpu.memref_slice %arg3[%add3A_303, %dma_start3A_304, %dma_start3A_305] : memref<1024x64x768xf32, #tpu.memory_space<hbm>> -> memref<1x64x768xf32, #tpu.memory_space<hbm>>
    %dma_start3A_307 = tpu.memref_squeeze %dma_start3A_306 : memref<1x64x768xf32, #tpu.memory_space<hbm>> -> memref<64x768xf32, #tpu.memory_space<hbm>>
    %dma_start3A_308 = arith.constant 0 : i32
    %dma_start3A_309 = arith.constant 0 : i32
    %dma_start3A_310 = tpu.memref_slice %arg3[%add3A_303, %dma_start3A_308, %dma_start3A_309] : memref<1024x64x768xf32, #tpu.memory_space<hbm>> -> memref<1x64x768xf32, #tpu.memory_space<hbm>>
    %dma_start3A_311 = tpu.memref_squeeze %dma_start3A_310 : memref<1x64x768xf32, #tpu.memory_space<hbm>> -> memref<64x768xf32, #tpu.memory_space<hbm>>
    tpu.enqueue_dma source(%arg4 : memref<64x768xf32, #tpu.memory_space<vmem>>) target(%dma_start3A_311 : memref<64x768xf32, #tpu.memory_space<hbm>>) target_semaphore(%arg5 : memref<!tpu.dma_semaphore, #tpu.memory_space<semaphore_mem>>)
    %add3A_312 = arith.constant 31 : i32
    %add3A_313 = arith.addi %mul3A_2, %add3A_312 : i32
    %dma_start3A_314 = arith.constant 0 : i32
    %dma_start3A_315 = arith.constant 0 : i32
    %dma_start3A_316 = tpu.memref_slice %arg3[%add3A_313, %dma_start3A_314, %dma_start3A_315] : memref<1024x64x768xf32, #tpu.memory_space<hbm>> -> memref<1x64x768xf32, #tpu.memory_space<hbm>>
    %dma_start3A_317 = tpu.memref_squeeze %dma_start3A_316 : memref<1x64x768xf32, #tpu.memory_space<hbm>> -> memref<64x768xf32, #tpu.memory_space<hbm>>
    %dma_start3A_318 = arith.constant 0 : i32
    %dma_start3A_319 = arith.constant 0 : i32
    %dma_start3A_320 = tpu.memref_slice %arg3[%add3A_313, %dma_start3A_318, %dma_start3A_319] : memref<1024x64x768xf32, #tpu.memory_space<hbm>> -> memref<1x64x768xf32, #tpu.memory_space<hbm>>
    %dma_start3A_321 = tpu.memref_squeeze %dma_start3A_320 : memref<1x64x768xf32, #tpu.memory_space<hbm>> -> memref<64x768xf32, #tpu.memory_space<hbm>>
    tpu.enqueue_dma source(%arg4 : memref<64x768xf32, #tpu.memory_space<vmem>>) target(%dma_start3A_321 : memref<64x768xf32, #tpu.memory_space<hbm>>) target_semaphore(%arg5 : memref<!tpu.dma_semaphore, #tpu.memory_space<semaphore_mem>>)
    %dma_wait3A = arith.constant 0 : i32
    %dma_wait3A_322 = arith.constant 0 : i32
    %dma_wait3A_323 = tpu.memref_slice %arg3[%add3A_4, %dma_wait3A, %dma_wait3A_322] : memref<1024x64x768xf32, #tpu.memory_space<hbm>> -> memref<1x64x768xf32, #tpu.memory_space<hbm>>
    %dma_wait3A_324 = tpu.memref_squeeze %dma_wait3A_323 : memref<1x64x768xf32, #tpu.memory_space<hbm>> -> memref<64x768xf32, #tpu.memory_space<hbm>>
    %dma_wait3A_325 = arith.constant 0 : i32
    %dma_wait3A_326 = arith.constant 0 : i32
    %dma_wait3A_327 = tpu.memref_slice %arg3[%add3A_4, %dma_wait3A_325, %dma_wait3A_326] : memref<1024x64x768xf32, #tpu.memory_space<hbm>> -> memref<1x64x768xf32, #tpu.memory_space<hbm>>
    %dma_wait3A_328 = tpu.memref_squeeze %dma_wait3A_327 : memref<1x64x768xf32, #tpu.memory_space<hbm>> -> memref<64x768xf32, #tpu.memory_space<hbm>>
    tpu.wait_dma2 semaphore(%arg5 : memref<!tpu.dma_semaphore, #tpu.memory_space<semaphore_mem>>) src(%arg4 : memref<64x768xf32, #tpu.memory_space<vmem>>) dst(%dma_wait3A_328 : memref<64x768xf32, #tpu.memory_space<hbm>>)
    %dma_wait3A_329 = arith.constant 0 : i32
    %dma_wait3A_330 = arith.constant 0 : i32
    %dma_wait3A_331 = tpu.memref_slice %arg3[%add3A_13, %dma_wait3A_329, %dma_wait3A_330] : memref<1024x64x768xf32, #tpu.memory_space<hbm>> -> memref<1x64x768xf32, #tpu.memory_space<hbm>>
    %dma_wait3A_332 = tpu.memref_squeeze %dma_wait3A_331 : memref<1x64x768xf32, #tpu.memory_space<hbm>> -> memref<64x768xf32, #tpu.memory_space<hbm>>
    %dma_wait3A_333 = arith.constant 0 : i32
    %dma_wait3A_334 = arith.constant 0 : i32
    %dma_wait3A_335 = tpu.memref_slice %arg3[%add3A_13, %dma_wait3A_333, %dma_wait3A_334] : memref<1024x64x768xf32, #tpu.memory_space<hbm>> -> memref<1x64x768xf32, #tpu.memory_space<hbm>>
    %dma_wait3A_336 = tpu.memref_squeeze %dma_wait3A_335 : memref<1x64x768xf32, #tpu.memory_space<hbm>> -> memref<64x768xf32, #tpu.memory_space<hbm>>
    tpu.wait_dma2 semaphore(%arg5 : memref<!tpu.dma_semaphore, #tpu.memory_space<semaphore_mem>>) src(%arg4 : memref<64x768xf32, #tpu.memory_space<vmem>>) dst(%dma_wait3A_336 : memref<64x768xf32, #tpu.memory_space<hbm>>)
    %dma_wait3A_337 = arith.constant 0 : i32
    %dma_wait3A_338 = arith.constant 0 : i32
    %dma_wait3A_339 = tpu.memref_slice %arg3[%add3A_23, %dma_wait3A_337, %dma_wait3A_338] : memref<1024x64x768xf32, #tpu.memory_space<hbm>> -> memref<1x64x768xf32, #tpu.memory_space<hbm>>
    %dma_wait3A_340 = tpu.memref_squeeze %dma_wait3A_339 : memref<1x64x768xf32, #tpu.memory_space<hbm>> -> memref<64x768xf32, #tpu.memory_space<hbm>>
    %dma_wait3A_341 = arith.constant 0 : i32
    %dma_wait3A_342 = arith.constant 0 : i32
    %dma_wait3A_343 = tpu.memref_slice %arg3[%add3A_23, %dma_wait3A_341, %dma_wait3A_342] : memref<1024x64x768xf32, #tpu.memory_space<hbm>> -> memref<1x64x768xf32, #tpu.memory_space<hbm>>
    %dma_wait3A_344 = tpu.memref_squeeze %dma_wait3A_343 : memref<1x64x768xf32, #tpu.memory_space<hbm>> -> memref<64x768xf32, #tpu.memory_space<hbm>>
    tpu.wait_dma2 semaphore(%arg5 : memref<!tpu.dma_semaphore, #tpu.memory_space<semaphore_mem>>) src(%arg4 : memref<64x768xf32, #tpu.memory_space<vmem>>) dst(%dma_wait3A_344 : memref<64x768xf32, #tpu.memory_space<hbm>>)
    %dma_wait3A_345 = arith.constant 0 : i32
    %dma_wait3A_346 = arith.constant 0 : i32
    %dma_wait3A_347 = tpu.memref_slice %arg3[%add3A_33, %dma_wait3A_345, %dma_wait3A_346] : memref<1024x64x768xf32, #tpu.memory_space<hbm>> -> memref<1x64x768xf32, #tpu.memory_space<hbm>>
    %dma_wait3A_348 = tpu.memref_squeeze %dma_wait3A_347 : memref<1x64x768xf32, #tpu.memory_space<hbm>> -> memref<64x768xf32, #tpu.memory_space<hbm>>
    %dma_wait3A_349 = arith.constant 0 : i32
    %dma_wait3A_350 = arith.constant 0 : i32
    %dma_wait3A_351 = tpu.memref_slice %arg3[%add3A_33, %dma_wait3A_349, %dma_wait3A_350] : memref<1024x64x768xf32, #tpu.memory_space<hbm>> -> memref<1x64x768xf32, #tpu.memory_space<hbm>>
    %dma_wait3A_352 = tpu.memref_squeeze %dma_wait3A_351 : memref<1x64x768xf32, #tpu.memory_space<hbm>> -> memref<64x768xf32, #tpu.memory_space<hbm>>
    tpu.wait_dma2 semaphore(%arg5 : memref<!tpu.dma_semaphore, #tpu.memory_space<semaphore_mem>>) src(%arg4 : memref<64x768xf32, #tpu.memory_space<vmem>>) dst(%dma_wait3A_352 : memref<64x768xf32, #tpu.memory_space<hbm>>)
    %dma_wait3A_353 = arith.constant 0 : i32
    %dma_wait3A_354 = arith.constant 0 : i32
    %dma_wait3A_355 = tpu.memref_slice %arg3[%add3A_43, %dma_wait3A_353, %dma_wait3A_354] : memref<1024x64x768xf32, #tpu.memory_space<hbm>> -> memref<1x64x768xf32, #tpu.memory_space<hbm>>
    %dma_wait3A_356 = tpu.memref_squeeze %dma_wait3A_355 : memref<1x64x768xf32, #tpu.memory_space<hbm>> -> memref<64x768xf32, #tpu.memory_space<hbm>>
    %dma_wait3A_357 = arith.constant 0 : i32
    %dma_wait3A_358 = arith.constant 0 : i32
    %dma_wait3A_359 = tpu.memref_slice %arg3[%add3A_43, %dma_wait3A_357, %dma_wait3A_358] : memref<1024x64x768xf32, #tpu.memory_space<hbm>> -> memref<1x64x768xf32, #tpu.memory_space<hbm>>
    %dma_wait3A_360 = tpu.memref_squeeze %dma_wait3A_359 : memref<1x64x768xf32, #tpu.memory_space<hbm>> -> memref<64x768xf32, #tpu.memory_space<hbm>>
    tpu.wait_dma2 semaphore(%arg5 : memref<!tpu.dma_semaphore, #tpu.memory_space<semaphore_mem>>) src(%arg4 : memref<64x768xf32, #tpu.memory_space<vmem>>) dst(%dma_wait3A_360 : memref<64x768xf32, #tpu.memory_space<hbm>>)
    %dma_wait3A_361 = arith.constant 0 : i32
    %dma_wait3A_362 = arith.constant 0 : i32
    %dma_wait3A_363 = tpu.memref_slice %arg3[%add3A_53, %dma_wait3A_361, %dma_wait3A_362] : memref<1024x64x768xf32, #tpu.memory_space<hbm>> -> memref<1x64x768xf32, #tpu.memory_space<hbm>>
    %dma_wait3A_364 = tpu.memref_squeeze %dma_wait3A_363 : memref<1x64x768xf32, #tpu.memory_space<hbm>> -> memref<64x768xf32, #tpu.memory_space<hbm>>
    %dma_wait3A_365 = arith.constant 0 : i32
    %dma_wait3A_366 = arith.constant 0 : i32
    %dma_wait3A_367 = tpu.memref_slice %arg3[%add3A_53, %dma_wait3A_365, %dma_wait3A_366] : memref<1024x64x768xf32, #tpu.memory_space<hbm>> -> memref<1x64x768xf32, #tpu.memory_space<hbm>>
    %dma_wait3A_368 = tpu.memref_squeeze %dma_wait3A_367 : memref<1x64x768xf32, #tpu.memory_space<hbm>> -> memref<64x768xf32, #tpu.memory_space<hbm>>
    tpu.wait_dma2 semaphore(%arg5 : memref<!tpu.dma_semaphore, #tpu.memory_space<semaphore_mem>>) src(%arg4 : memref<64x768xf32, #tpu.memory_space<vmem>>) dst(%dma_wait3A_368 : memref<64x768xf32, #tpu.memory_space<hbm>>)
    %dma_wait3A_369 = arith.constant 0 : i32
    %dma_wait3A_370 = arith.constant 0 : i32
    %dma_wait3A_371 = tpu.memref_slice %arg3[%add3A_63, %dma_wait3A_369, %dma_wait3A_370] : memref<1024x64x768xf32, #tpu.memory_space<hbm>> -> memref<1x64x768xf32, #tpu.memory_space<hbm>>
    %dma_wait3A_372 = tpu.memref_squeeze %dma_wait3A_371 : memref<1x64x768xf32, #tpu.memory_space<hbm>> -> memref<64x768xf32, #tpu.memory_space<hbm>>
    %dma_wait3A_373 = arith.constant 0 : i32
    %dma_wait3A_374 = arith.constant 0 : i32
    %dma_wait3A_375 = tpu.memref_slice %arg3[%add3A_63, %dma_wait3A_373, %dma_wait3A_374] : memref<1024x64x768xf32, #tpu.memory_space<hbm>> -> memref<1x64x768xf32, #tpu.memory_space<hbm>>
    %dma_wait3A_376 = tpu.memref_squeeze %dma_wait3A_375 : memref<1x64x768xf32, #tpu.memory_space<hbm>> -> memref<64x768xf32, #tpu.memory_space<hbm>>
    tpu.wait_dma2 semaphore(%arg5 : memref<!tpu.dma_semaphore, #tpu.memory_space<semaphore_mem>>) src(%arg4 : memref<64x768xf32, #tpu.memory_space<vmem>>) dst(%dma_wait3A_376 : memref<64x768xf32, #tpu.memory_space<hbm>>)
    %dma_wait3A_377 = arith.constant 0 : i32
    %dma_wait3A_378 = arith.constant 0 : i32
    %dma_wait3A_379 = tpu.memref_slice %arg3[%add3A_73, %dma_wait3A_377, %dma_wait3A_378] : memref<1024x64x768xf32, #tpu.memory_space<hbm>> -> memref<1x64x768xf32, #tpu.memory_space<hbm>>
    %dma_wait3A_380 = tpu.memref_squeeze %dma_wait3A_379 : memref<1x64x768xf32, #tpu.memory_space<hbm>> -> memref<64x768xf32, #tpu.memory_space<hbm>>
    %dma_wait3A_381 = arith.constant 0 : i32
    %dma_wait3A_382 = arith.constant 0 : i32
    %dma_wait3A_383 = tpu.memref_slice %arg3[%add3A_73, %dma_wait3A_381, %dma_wait3A_382] : memref<1024x64x768xf32, #tpu.memory_space<hbm>> -> memref<1x64x768xf32, #tpu.memory_space<hbm>>
    %dma_wait3A_384 = tpu.memref_squeeze %dma_wait3A_383 : memref<1x64x768xf32, #tpu.memory_space<hbm>> -> memref<64x768xf32, #tpu.memory_space<hbm>>
    tpu.wait_dma2 semaphore(%arg5 : memref<!tpu.dma_semaphore, #tpu.memory_space<semaphore_mem>>) src(%arg4 : memref<64x768xf32, #tpu.memory_space<vmem>>) dst(%dma_wait3A_384 : memref<64x768xf32, #tpu.memory_space<hbm>>)
    %dma_wait3A_385 = arith.constant 0 : i32
    %dma_wait3A_386 = arith.constant 0 : i32
    %dma_wait3A_387 = tpu.memref_slice %arg3[%add3A_83, %dma_wait3A_385, %dma_wait3A_386] : memref<1024x64x768xf32, #tpu.memory_space<hbm>> -> memref<1x64x768xf32, #tpu.memory_space<hbm>>
    %dma_wait3A_388 = tpu.memref_squeeze %dma_wait3A_387 : memref<1x64x768xf32, #tpu.memory_space<hbm>> -> memref<64x768xf32, #tpu.memory_space<hbm>>
    %dma_wait3A_389 = arith.constant 0 : i32
    %dma_wait3A_390 = arith.constant 0 : i32
    %dma_wait3A_391 = tpu.memref_slice %arg3[%add3A_83, %dma_wait3A_389, %dma_wait3A_390] : memref<1024x64x768xf32, #tpu.memory_space<hbm>> -> memref<1x64x768xf32, #tpu.memory_space<hbm>>
    %dma_wait3A_392 = tpu.memref_squeeze %dma_wait3A_391 : memref<1x64x768xf32, #tpu.memory_space<hbm>> -> memref<64x768xf32, #tpu.memory_space<hbm>>
    tpu.wait_dma2 semaphore(%arg5 : memref<!tpu.dma_semaphore, #tpu.memory_space<semaphore_mem>>) src(%arg4 : memref<64x768xf32, #tpu.memory_space<vmem>>) dst(%dma_wait3A_392 : memref<64x768xf32, #tpu.memory_space<hbm>>)
    %dma_wait3A_393 = arith.constant 0 : i32
    %dma_wait3A_394 = arith.constant 0 : i32
    %dma_wait3A_395 = tpu.memref_slice %arg3[%add3A_93, %dma_wait3A_393, %dma_wait3A_394] : memref<1024x64x768xf32, #tpu.memory_space<hbm>> -> memref<1x64x768xf32, #tpu.memory_space<hbm>>
    %dma_wait3A_396 = tpu.memref_squeeze %dma_wait3A_395 : memref<1x64x768xf32, #tpu.memory_space<hbm>> -> memref<64x768xf32, #tpu.memory_space<hbm>>
    %dma_wait3A_397 = arith.constant 0 : i32
    %dma_wait3A_398 = arith.constant 0 : i32
    %dma_wait3A_399 = tpu.memref_slice %arg3[%add3A_93, %dma_wait3A_397, %dma_wait3A_398] : memref<1024x64x768xf32, #tpu.memory_space<hbm>> -> memref<1x64x768xf32, #tpu.memory_space<hbm>>
    %dma_wait3A_400 = tpu.memref_squeeze %dma_wait3A_399 : memref<1x64x768xf32, #tpu.memory_space<hbm>> -> memref<64x768xf32, #tpu.memory_space<hbm>>
    tpu.wait_dma2 semaphore(%arg5 : memref<!tpu.dma_semaphore, #tpu.memory_space<semaphore_mem>>) src(%arg4 : memref<64x768xf32, #tpu.memory_space<vmem>>) dst(%dma_wait3A_400 : memref<64x768xf32, #tpu.memory_space<hbm>>)
    %dma_wait3A_401 = arith.constant 0 : i32
    %dma_wait3A_402 = arith.constant 0 : i32
    %dma_wait3A_403 = tpu.memref_slice %arg3[%add3A_103, %dma_wait3A_401, %dma_wait3A_402] : memref<1024x64x768xf32, #tpu.memory_space<hbm>> -> memref<1x64x768xf32, #tpu.memory_space<hbm>>
    %dma_wait3A_404 = tpu.memref_squeeze %dma_wait3A_403 : memref<1x64x768xf32, #tpu.memory_space<hbm>> -> memref<64x768xf32, #tpu.memory_space<hbm>>
    %dma_wait3A_405 = arith.constant 0 : i32
    %dma_wait3A_406 = arith.constant 0 : i32
    %dma_wait3A_407 = tpu.memref_slice %arg3[%add3A_103, %dma_wait3A_405, %dma_wait3A_406] : memref<1024x64x768xf32, #tpu.memory_space<hbm>> -> memref<1x64x768xf32, #tpu.memory_space<hbm>>
    %dma_wait3A_408 = tpu.memref_squeeze %dma_wait3A_407 : memref<1x64x768xf32, #tpu.memory_space<hbm>> -> memref<64x768xf32, #tpu.memory_space<hbm>>
    tpu.wait_dma2 semaphore(%arg5 : memref<!tpu.dma_semaphore, #tpu.memory_space<semaphore_mem>>) src(%arg4 : memref<64x768xf32, #tpu.memory_space<vmem>>) dst(%dma_wait3A_408 : memref<64x768xf32, #tpu.memory_space<hbm>>)
    %dma_wait3A_409 = arith.constant 0 : i32
    %dma_wait3A_410 = arith.constant 0 : i32
    %dma_wait3A_411 = tpu.memref_slice %arg3[%add3A_113, %dma_wait3A_409, %dma_wait3A_410] : memref<1024x64x768xf32, #tpu.memory_space<hbm>> -> memref<1x64x768xf32, #tpu.memory_space<hbm>>
    %dma_wait3A_412 = tpu.memref_squeeze %dma_wait3A_411 : memref<1x64x768xf32, #tpu.memory_space<hbm>> -> memref<64x768xf32, #tpu.memory_space<hbm>>
    %dma_wait3A_413 = arith.constant 0 : i32
    %dma_wait3A_414 = arith.constant 0 : i32
    %dma_wait3A_415 = tpu.memref_slice %arg3[%add3A_113, %dma_wait3A_413, %dma_wait3A_414] : memref<1024x64x768xf32, #tpu.memory_space<hbm>> -> memref<1x64x768xf32, #tpu.memory_space<hbm>>
    %dma_wait3A_416 = tpu.memref_squeeze %dma_wait3A_415 : memref<1x64x768xf32, #tpu.memory_space<hbm>> -> memref<64x768xf32, #tpu.memory_space<hbm>>
    tpu.wait_dma2 semaphore(%arg5 : memref<!tpu.dma_semaphore, #tpu.memory_space<semaphore_mem>>) src(%arg4 : memref<64x768xf32, #tpu.memory_space<vmem>>) dst(%dma_wait3A_416 : memref<64x768xf32, #tpu.memory_space<hbm>>)
    %dma_wait3A_417 = arith.constant 0 : i32
    %dma_wait3A_418 = arith.constant 0 : i32
    %dma_wait3A_419 = tpu.memref_slice %arg3[%add3A_123, %dma_wait3A_417, %dma_wait3A_418] : memref<1024x64x768xf32, #tpu.memory_space<hbm>> -> memref<1x64x768xf32, #tpu.memory_space<hbm>>
    %dma_wait3A_420 = tpu.memref_squeeze %dma_wait3A_419 : memref<1x64x768xf32, #tpu.memory_space<hbm>> -> memref<64x768xf32, #tpu.memory_space<hbm>>
    %dma_wait3A_421 = arith.constant 0 : i32
    %dma_wait3A_422 = arith.constant 0 : i32
    %dma_wait3A_423 = tpu.memref_slice %arg3[%add3A_123, %dma_wait3A_421, %dma_wait3A_422] : memref<1024x64x768xf32, #tpu.memory_space<hbm>> -> memref<1x64x768xf32, #tpu.memory_space<hbm>>
    %dma_wait3A_424 = tpu.memref_squeeze %dma_wait3A_423 : memref<1x64x768xf32, #tpu.memory_space<hbm>> -> memref<64x768xf32, #tpu.memory_space<hbm>>
    tpu.wait_dma2 semaphore(%arg5 : memref<!tpu.dma_semaphore, #tpu.memory_space<semaphore_mem>>) src(%arg4 : memref<64x768xf32, #tpu.memory_space<vmem>>) dst(%dma_wait3A_424 : memref<64x768xf32, #tpu.memory_space<hbm>>)
    %dma_wait3A_425 = arith.constant 0 : i32
    %dma_wait3A_426 = arith.constant 0 : i32
    %dma_wait3A_427 = tpu.memref_slice %arg3[%add3A_133, %dma_wait3A_425, %dma_wait3A_426] : memref<1024x64x768xf32, #tpu.memory_space<hbm>> -> memref<1x64x768xf32, #tpu.memory_space<hbm>>
    %dma_wait3A_428 = tpu.memref_squeeze %dma_wait3A_427 : memref<1x64x768xf32, #tpu.memory_space<hbm>> -> memref<64x768xf32, #tpu.memory_space<hbm>>
    %dma_wait3A_429 = arith.constant 0 : i32
    %dma_wait3A_430 = arith.constant 0 : i32
    %dma_wait3A_431 = tpu.memref_slice %arg3[%add3A_133, %dma_wait3A_429, %dma_wait3A_430] : memref<1024x64x768xf32, #tpu.memory_space<hbm>> -> memref<1x64x768xf32, #tpu.memory_space<hbm>>
    %dma_wait3A_432 = tpu.memref_squeeze %dma_wait3A_431 : memref<1x64x768xf32, #tpu.memory_space<hbm>> -> memref<64x768xf32, #tpu.memory_space<hbm>>
    tpu.wait_dma2 semaphore(%arg5 : memref<!tpu.dma_semaphore, #tpu.memory_space<semaphore_mem>>) src(%arg4 : memref<64x768xf32, #tpu.memory_space<vmem>>) dst(%dma_wait3A_432 : memref<64x768xf32, #tpu.memory_space<hbm>>)
    %dma_wait3A_433 = arith.constant 0 : i32
    %dma_wait3A_434 = arith.constant 0 : i32
    %dma_wait3A_435 = tpu.memref_slice %arg3[%add3A_143, %dma_wait3A_433, %dma_wait3A_434] : memref<1024x64x768xf32, #tpu.memory_space<hbm>> -> memref<1x64x768xf32, #tpu.memory_space<hbm>>
    %dma_wait3A_436 = tpu.memref_squeeze %dma_wait3A_435 : memref<1x64x768xf32, #tpu.memory_space<hbm>> -> memref<64x768xf32, #tpu.memory_space<hbm>>
    %dma_wait3A_437 = arith.constant 0 : i32
    %dma_wait3A_438 = arith.constant 0 : i32
    %dma_wait3A_439 = tpu.memref_slice %arg3[%add3A_143, %dma_wait3A_437, %dma_wait3A_438] : memref<1024x64x768xf32, #tpu.memory_space<hbm>> -> memref<1x64x768xf32, #tpu.memory_space<hbm>>
    %dma_wait3A_440 = tpu.memref_squeeze %dma_wait3A_439 : memref<1x64x768xf32, #tpu.memory_space<hbm>> -> memref<64x768xf32, #tpu.memory_space<hbm>>
    tpu.wait_dma2 semaphore(%arg5 : memref<!tpu.dma_semaphore, #tpu.memory_space<semaphore_mem>>) src(%arg4 : memref<64x768xf32, #tpu.memory_space<vmem>>) dst(%dma_wait3A_440 : memref<64x768xf32, #tpu.memory_space<hbm>>)
    %dma_wait3A_441 = arith.constant 0 : i32
    %dma_wait3A_442 = arith.constant 0 : i32
    %dma_wait3A_443 = tpu.memref_slice %arg3[%add3A_153, %dma_wait3A_441, %dma_wait3A_442] : memref<1024x64x768xf32, #tpu.memory_space<hbm>> -> memref<1x64x768xf32, #tpu.memory_space<hbm>>
    %dma_wait3A_444 = tpu.memref_squeeze %dma_wait3A_443 : memref<1x64x768xf32, #tpu.memory_space<hbm>> -> memref<64x768xf32, #tpu.memory_space<hbm>>
    %dma_wait3A_445 = arith.constant 0 : i32
    %dma_wait3A_446 = arith.constant 0 : i32
    %dma_wait3A_447 = tpu.memref_slice %arg3[%add3A_153, %dma_wait3A_445, %dma_wait3A_446] : memref<1024x64x768xf32, #tpu.memory_space<hbm>> -> memref<1x64x768xf32, #tpu.memory_space<hbm>>
    %dma_wait3A_448 = tpu.memref_squeeze %dma_wait3A_447 : memref<1x64x768xf32, #tpu.memory_space<hbm>> -> memref<64x768xf32, #tpu.memory_space<hbm>>
    tpu.wait_dma2 semaphore(%arg5 : memref<!tpu.dma_semaphore, #tpu.memory_space<semaphore_mem>>) src(%arg4 : memref<64x768xf32, #tpu.memory_space<vmem>>) dst(%dma_wait3A_448 : memref<64x768xf32, #tpu.memory_space<hbm>>)
    %dma_wait3A_449 = arith.constant 0 : i32
    %dma_wait3A_450 = arith.constant 0 : i32
    %dma_wait3A_451 = tpu.memref_slice %arg3[%add3A_163, %dma_wait3A_449, %dma_wait3A_450] : memref<1024x64x768xf32, #tpu.memory_space<hbm>> -> memref<1x64x768xf32, #tpu.memory_space<hbm>>
    %dma_wait3A_452 = tpu.memref_squeeze %dma_wait3A_451 : memref<1x64x768xf32, #tpu.memory_space<hbm>> -> memref<64x768xf32, #tpu.memory_space<hbm>>
    %dma_wait3A_453 = arith.constant 0 : i32
    %dma_wait3A_454 = arith.constant 0 : i32
    %dma_wait3A_455 = tpu.memref_slice %arg3[%add3A_163, %dma_wait3A_453, %dma_wait3A_454] : memref<1024x64x768xf32, #tpu.memory_space<hbm>> -> memref<1x64x768xf32, #tpu.memory_space<hbm>>
    %dma_wait3A_456 = tpu.memref_squeeze %dma_wait3A_455 : memref<1x64x768xf32, #tpu.memory_space<hbm>> -> memref<64x768xf32, #tpu.memory_space<hbm>>
    tpu.wait_dma2 semaphore(%arg5 : memref<!tpu.dma_semaphore, #tpu.memory_space<semaphore_mem>>) src(%arg4 : memref<64x768xf32, #tpu.memory_space<vmem>>) dst(%dma_wait3A_456 : memref<64x768xf32, #tpu.memory_space<hbm>>)
    %dma_wait3A_457 = arith.constant 0 : i32
    %dma_wait3A_458 = arith.constant 0 : i32
    %dma_wait3A_459 = tpu.memref_slice %arg3[%add3A_173, %dma_wait3A_457, %dma_wait3A_458] : memref<1024x64x768xf32, #tpu.memory_space<hbm>> -> memref<1x64x768xf32, #tpu.memory_space<hbm>>
    %dma_wait3A_460 = tpu.memref_squeeze %dma_wait3A_459 : memref<1x64x768xf32, #tpu.memory_space<hbm>> -> memref<64x768xf32, #tpu.memory_space<hbm>>
    %dma_wait3A_461 = arith.constant 0 : i32
    %dma_wait3A_462 = arith.constant 0 : i32
    %dma_wait3A_463 = tpu.memref_slice %arg3[%add3A_173, %dma_wait3A_461, %dma_wait3A_462] : memref<1024x64x768xf32, #tpu.memory_space<hbm>> -> memref<1x64x768xf32, #tpu.memory_space<hbm>>
    %dma_wait3A_464 = tpu.memref_squeeze %dma_wait3A_463 : memref<1x64x768xf32, #tpu.memory_space<hbm>> -> memref<64x768xf32, #tpu.memory_space<hbm>>
    tpu.wait_dma2 semaphore(%arg5 : memref<!tpu.dma_semaphore, #tpu.memory_space<semaphore_mem>>) src(%arg4 : memref<64x768xf32, #tpu.memory_space<vmem>>) dst(%dma_wait3A_464 : memref<64x768xf32, #tpu.memory_space<hbm>>)
    %dma_wait3A_465 = arith.constant 0 : i32
    %dma_wait3A_466 = arith.constant 0 : i32
    %dma_wait3A_467 = tpu.memref_slice %arg3[%add3A_183, %dma_wait3A_465, %dma_wait3A_466] : memref<1024x64x768xf32, #tpu.memory_space<hbm>> -> memref<1x64x768xf32, #tpu.memory_space<hbm>>
    %dma_wait3A_468 = tpu.memref_squeeze %dma_wait3A_467 : memref<1x64x768xf32, #tpu.memory_space<hbm>> -> memref<64x768xf32, #tpu.memory_space<hbm>>
    %dma_wait3A_469 = arith.constant 0 : i32
    %dma_wait3A_470 = arith.constant 0 : i32
    %dma_wait3A_471 = tpu.memref_slice %arg3[%add3A_183, %dma_wait3A_469, %dma_wait3A_470] : memref<1024x64x768xf32, #tpu.memory_space<hbm>> -> memref<1x64x768xf32, #tpu.memory_space<hbm>>
    %dma_wait3A_472 = tpu.memref_squeeze %dma_wait3A_471 : memref<1x64x768xf32, #tpu.memory_space<hbm>> -> memref<64x768xf32, #tpu.memory_space<hbm>>
    tpu.wait_dma2 semaphore(%arg5 : memref<!tpu.dma_semaphore, #tpu.memory_space<semaphore_mem>>) src(%arg4 : memref<64x768xf32, #tpu.memory_space<vmem>>) dst(%dma_wait3A_472 : memref<64x768xf32, #tpu.memory_space<hbm>>)
    %dma_wait3A_473 = arith.constant 0 : i32
    %dma_wait3A_474 = arith.constant 0 : i32
    %dma_wait3A_475 = tpu.memref_slice %arg3[%add3A_193, %dma_wait3A_473, %dma_wait3A_474] : memref<1024x64x768xf32, #tpu.memory_space<hbm>> -> memref<1x64x768xf32, #tpu.memory_space<hbm>>
    %dma_wait3A_476 = tpu.memref_squeeze %dma_wait3A_475 : memref<1x64x768xf32, #tpu.memory_space<hbm>> -> memref<64x768xf32, #tpu.memory_space<hbm>>
    %dma_wait3A_477 = arith.constant 0 : i32
    %dma_wait3A_478 = arith.constant 0 : i32
    %dma_wait3A_479 = tpu.memref_slice %arg3[%add3A_193, %dma_wait3A_477, %dma_wait3A_478] : memref<1024x64x768xf32, #tpu.memory_space<hbm>> -> memref<1x64x768xf32, #tpu.memory_space<hbm>>
    %dma_wait3A_480 = tpu.memref_squeeze %dma_wait3A_479 : memref<1x64x768xf32, #tpu.memory_space<hbm>> -> memref<64x768xf32, #tpu.memory_space<hbm>>
    tpu.wait_dma2 semaphore(%arg5 : memref<!tpu.dma_semaphore, #tpu.memory_space<semaphore_mem>>) src(%arg4 : memref<64x768xf32, #tpu.memory_space<vmem>>) dst(%dma_wait3A_480 : memref<64x768xf32, #tpu.memory_space<hbm>>)
    %dma_wait3A_481 = arith.constant 0 : i32
    %dma_wait3A_482 = arith.constant 0 : i32
    %dma_wait3A_483 = tpu.memref_slice %arg3[%add3A_203, %dma_wait3A_481, %dma_wait3A_482] : memref<1024x64x768xf32, #tpu.memory_space<hbm>> -> memref<1x64x768xf32, #tpu.memory_space<hbm>>
    %dma_wait3A_484 = tpu.memref_squeeze %dma_wait3A_483 : memref<1x64x768xf32, #tpu.memory_space<hbm>> -> memref<64x768xf32, #tpu.memory_space<hbm>>
    %dma_wait3A_485 = arith.constant 0 : i32
    %dma_wait3A_486 = arith.constant 0 : i32
    %dma_wait3A_487 = tpu.memref_slice %arg3[%add3A_203, %dma_wait3A_485, %dma_wait3A_486] : memref<1024x64x768xf32, #tpu.memory_space<hbm>> -> memref<1x64x768xf32, #tpu.memory_space<hbm>>
    %dma_wait3A_488 = tpu.memref_squeeze %dma_wait3A_487 : memref<1x64x768xf32, #tpu.memory_space<hbm>> -> memref<64x768xf32, #tpu.memory_space<hbm>>
    tpu.wait_dma2 semaphore(%arg5 : memref<!tpu.dma_semaphore, #tpu.memory_space<semaphore_mem>>) src(%arg4 : memref<64x768xf32, #tpu.memory_space<vmem>>) dst(%dma_wait3A_488 : memref<64x768xf32, #tpu.memory_space<hbm>>)
    %dma_wait3A_489 = arith.constant 0 : i32
    %dma_wait3A_490 = arith.constant 0 : i32
    %dma_wait3A_491 = tpu.memref_slice %arg3[%add3A_213, %dma_wait3A_489, %dma_wait3A_490] : memref<1024x64x768xf32, #tpu.memory_space<hbm>> -> memref<1x64x768xf32, #tpu.memory_space<hbm>>
    %dma_wait3A_492 = tpu.memref_squeeze %dma_wait3A_491 : memref<1x64x768xf32, #tpu.memory_space<hbm>> -> memref<64x768xf32, #tpu.memory_space<hbm>>
    %dma_wait3A_493 = arith.constant 0 : i32
    %dma_wait3A_494 = arith.constant 0 : i32
    %dma_wait3A_495 = tpu.memref_slice %arg3[%add3A_213, %dma_wait3A_493, %dma_wait3A_494] : memref<1024x64x768xf32, #tpu.memory_space<hbm>> -> memref<1x64x768xf32, #tpu.memory_space<hbm>>
    %dma_wait3A_496 = tpu.memref_squeeze %dma_wait3A_495 : memref<1x64x768xf32, #tpu.memory_space<hbm>> -> memref<64x768xf32, #tpu.memory_space<hbm>>
    tpu.wait_dma2 semaphore(%arg5 : memref<!tpu.dma_semaphore, #tpu.memory_space<semaphore_mem>>) src(%arg4 : memref<64x768xf32, #tpu.memory_space<vmem>>) dst(%dma_wait3A_496 : memref<64x768xf32, #tpu.memory_space<hbm>>)
    %dma_wait3A_497 = arith.constant 0 : i32
    %dma_wait3A_498 = arith.constant 0 : i32
    %dma_wait3A_499 = tpu.memref_slice %arg3[%add3A_223, %dma_wait3A_497, %dma_wait3A_498] : memref<1024x64x768xf32, #tpu.memory_space<hbm>> -> memref<1x64x768xf32, #tpu.memory_space<hbm>>
    %dma_wait3A_500 = tpu.memref_squeeze %dma_wait3A_499 : memref<1x64x768xf32, #tpu.memory_space<hbm>> -> memref<64x768xf32, #tpu.memory_space<hbm>>
    %dma_wait3A_501 = arith.constant 0 : i32
    %dma_wait3A_502 = arith.constant 0 : i32
    %dma_wait3A_503 = tpu.memref_slice %arg3[%add3A_223, %dma_wait3A_501, %dma_wait3A_502] : memref<1024x64x768xf32, #tpu.memory_space<hbm>> -> memref<1x64x768xf32, #tpu.memory_space<hbm>>
    %dma_wait3A_504 = tpu.memref_squeeze %dma_wait3A_503 : memref<1x64x768xf32, #tpu.memory_space<hbm>> -> memref<64x768xf32, #tpu.memory_space<hbm>>
    tpu.wait_dma2 semaphore(%arg5 : memref<!tpu.dma_semaphore, #tpu.memory_space<semaphore_mem>>) src(%arg4 : memref<64x768xf32, #tpu.memory_space<vmem>>) dst(%dma_wait3A_504 : memref<64x768xf32, #tpu.memory_space<hbm>>)
    %dma_wait3A_505 = arith.constant 0 : i32
    %dma_wait3A_506 = arith.constant 0 : i32
    %dma_wait3A_507 = tpu.memref_slice %arg3[%add3A_233, %dma_wait3A_505, %dma_wait3A_506] : memref<1024x64x768xf32, #tpu.memory_space<hbm>> -> memref<1x64x768xf32, #tpu.memory_space<hbm>>
    %dma_wait3A_508 = tpu.memref_squeeze %dma_wait3A_507 : memref<1x64x768xf32, #tpu.memory_space<hbm>> -> memref<64x768xf32, #tpu.memory_space<hbm>>
    %dma_wait3A_509 = arith.constant 0 : i32
    %dma_wait3A_510 = arith.constant 0 : i32
    %dma_wait3A_511 = tpu.memref_slice %arg3[%add3A_233, %dma_wait3A_509, %dma_wait3A_510] : memref<1024x64x768xf32, #tpu.memory_space<hbm>> -> memref<1x64x768xf32, #tpu.memory_space<hbm>>
    %dma_wait3A_512 = tpu.memref_squeeze %dma_wait3A_511 : memref<1x64x768xf32, #tpu.memory_space<hbm>> -> memref<64x768xf32, #tpu.memory_space<hbm>>
    tpu.wait_dma2 semaphore(%arg5 : memref<!tpu.dma_semaphore, #tpu.memory_space<semaphore_mem>>) src(%arg4 : memref<64x768xf32, #tpu.memory_space<vmem>>) dst(%dma_wait3A_512 : memref<64x768xf32, #tpu.memory_space<hbm>>)
    %dma_wait3A_513 = arith.constant 0 : i32
    %dma_wait3A_514 = arith.constant 0 : i32
    %dma_wait3A_515 = tpu.memref_slice %arg3[%add3A_243, %dma_wait3A_513, %dma_wait3A_514] : memref<1024x64x768xf32, #tpu.memory_space<hbm>> -> memref<1x64x768xf32, #tpu.memory_space<hbm>>
    %dma_wait3A_516 = tpu.memref_squeeze %dma_wait3A_515 : memref<1x64x768xf32, #tpu.memory_space<hbm>> -> memref<64x768xf32, #tpu.memory_space<hbm>>
    %dma_wait3A_517 = arith.constant 0 : i32
    %dma_wait3A_518 = arith.constant 0 : i32
    %dma_wait3A_519 = tpu.memref_slice %arg3[%add3A_243, %dma_wait3A_517, %dma_wait3A_518] : memref<1024x64x768xf32, #tpu.memory_space<hbm>> -> memref<1x64x768xf32, #tpu.memory_space<hbm>>
    %dma_wait3A_520 = tpu.memref_squeeze %dma_wait3A_519 : memref<1x64x768xf32, #tpu.memory_space<hbm>> -> memref<64x768xf32, #tpu.memory_space<hbm>>
    tpu.wait_dma2 semaphore(%arg5 : memref<!tpu.dma_semaphore, #tpu.memory_space<semaphore_mem>>) src(%arg4 : memref<64x768xf32, #tpu.memory_space<vmem>>) dst(%dma_wait3A_520 : memref<64x768xf32, #tpu.memory_space<hbm>>)
    %dma_wait3A_521 = arith.constant 0 : i32
    %dma_wait3A_522 = arith.constant 0 : i32
    %dma_wait3A_523 = tpu.memref_slice %arg3[%add3A_253, %dma_wait3A_521, %dma_wait3A_522] : memref<1024x64x768xf32, #tpu.memory_space<hbm>> -> memref<1x64x768xf32, #tpu.memory_space<hbm>>
    %dma_wait3A_524 = tpu.memref_squeeze %dma_wait3A_523 : memref<1x64x768xf32, #tpu.memory_space<hbm>> -> memref<64x768xf32, #tpu.memory_space<hbm>>
    %dma_wait3A_525 = arith.constant 0 : i32
    %dma_wait3A_526 = arith.constant 0 : i32
    %dma_wait3A_527 = tpu.memref_slice %arg3[%add3A_253, %dma_wait3A_525, %dma_wait3A_526] : memref<1024x64x768xf32, #tpu.memory_space<hbm>> -> memref<1x64x768xf32, #tpu.memory_space<hbm>>
    %dma_wait3A_528 = tpu.memref_squeeze %dma_wait3A_527 : memref<1x64x768xf32, #tpu.memory_space<hbm>> -> memref<64x768xf32, #tpu.memory_space<hbm>>
    tpu.wait_dma2 semaphore(%arg5 : memref<!tpu.dma_semaphore, #tpu.memory_space<semaphore_mem>>) src(%arg4 : memref<64x768xf32, #tpu.memory_space<vmem>>) dst(%dma_wait3A_528 : memref<64x768xf32, #tpu.memory_space<hbm>>)
    %dma_wait3A_529 = arith.constant 0 : i32
    %dma_wait3A_530 = arith.constant 0 : i32
    %dma_wait3A_531 = tpu.memref_slice %arg3[%add3A_263, %dma_wait3A_529, %dma_wait3A_530] : memref<1024x64x768xf32, #tpu.memory_space<hbm>> -> memref<1x64x768xf32, #tpu.memory_space<hbm>>
    %dma_wait3A_532 = tpu.memref_squeeze %dma_wait3A_531 : memref<1x64x768xf32, #tpu.memory_space<hbm>> -> memref<64x768xf32, #tpu.memory_space<hbm>>
    %dma_wait3A_533 = arith.constant 0 : i32
    %dma_wait3A_534 = arith.constant 0 : i32
    %dma_wait3A_535 = tpu.memref_slice %arg3[%add3A_263, %dma_wait3A_533, %dma_wait3A_534] : memref<1024x64x768xf32, #tpu.memory_space<hbm>> -> memref<1x64x768xf32, #tpu.memory_space<hbm>>
    %dma_wait3A_536 = tpu.memref_squeeze %dma_wait3A_535 : memref<1x64x768xf32, #tpu.memory_space<hbm>> -> memref<64x768xf32, #tpu.memory_space<hbm>>
    tpu.wait_dma2 semaphore(%arg5 : memref<!tpu.dma_semaphore, #tpu.memory_space<semaphore_mem>>) src(%arg4 : memref<64x768xf32, #tpu.memory_space<vmem>>) dst(%dma_wait3A_536 : memref<64x768xf32, #tpu.memory_space<hbm>>)
    %dma_wait3A_537 = arith.constant 0 : i32
    %dma_wait3A_538 = arith.constant 0 : i32
    %dma_wait3A_539 = tpu.memref_slice %arg3[%add3A_273, %dma_wait3A_537, %dma_wait3A_538] : memref<1024x64x768xf32, #tpu.memory_space<hbm>> -> memref<1x64x768xf32, #tpu.memory_space<hbm>>
    %dma_wait3A_540 = tpu.memref_squeeze %dma_wait3A_539 : memref<1x64x768xf32, #tpu.memory_space<hbm>> -> memref<64x768xf32, #tpu.memory_space<hbm>>
    %dma_wait3A_541 = arith.constant 0 : i32
    %dma_wait3A_542 = arith.constant 0 : i32
    %dma_wait3A_543 = tpu.memref_slice %arg3[%add3A_273, %dma_wait3A_541, %dma_wait3A_542] : memref<1024x64x768xf32, #tpu.memory_space<hbm>> -> memref<1x64x768xf32, #tpu.memory_space<hbm>>
    %dma_wait3A_544 = tpu.memref_squeeze %dma_wait3A_543 : memref<1x64x768xf32, #tpu.memory_space<hbm>> -> memref<64x768xf32, #tpu.memory_space<hbm>>
    tpu.wait_dma2 semaphore(%arg5 : memref<!tpu.dma_semaphore, #tpu.memory_space<semaphore_mem>>) src(%arg4 : memref<64x768xf32, #tpu.memory_space<vmem>>) dst(%dma_wait3A_544 : memref<64x768xf32, #tpu.memory_space<hbm>>)
    %dma_wait3A_545 = arith.constant 0 : i32
    %dma_wait3A_546 = arith.constant 0 : i32
    %dma_wait3A_547 = tpu.memref_slice %arg3[%add3A_283, %dma_wait3A_545, %dma_wait3A_546] : memref<1024x64x768xf32, #tpu.memory_space<hbm>> -> memref<1x64x768xf32, #tpu.memory_space<hbm>>
    %dma_wait3A_548 = tpu.memref_squeeze %dma_wait3A_547 : memref<1x64x768xf32, #tpu.memory_space<hbm>> -> memref<64x768xf32, #tpu.memory_space<hbm>>
    %dma_wait3A_549 = arith.constant 0 : i32
    %dma_wait3A_550 = arith.constant 0 : i32
    %dma_wait3A_551 = tpu.memref_slice %arg3[%add3A_283, %dma_wait3A_549, %dma_wait3A_550] : memref<1024x64x768xf32, #tpu.memory_space<hbm>> -> memref<1x64x768xf32, #tpu.memory_space<hbm>>
    %dma_wait3A_552 = tpu.memref_squeeze %dma_wait3A_551 : memref<1x64x768xf32, #tpu.memory_space<hbm>> -> memref<64x768xf32, #tpu.memory_space<hbm>>
    tpu.wait_dma2 semaphore(%arg5 : memref<!tpu.dma_semaphore, #tpu.memory_space<semaphore_mem>>) src(%arg4 : memref<64x768xf32, #tpu.memory_space<vmem>>) dst(%dma_wait3A_552 : memref<64x768xf32, #tpu.memory_space<hbm>>)
    %dma_wait3A_553 = arith.constant 0 : i32
    %dma_wait3A_554 = arith.constant 0 : i32
    %dma_wait3A_555 = tpu.memref_slice %arg3[%add3A_293, %dma_wait3A_553, %dma_wait3A_554] : memref<1024x64x768xf32, #tpu.memory_space<hbm>> -> memref<1x64x768xf32, #tpu.memory_space<hbm>>
    %dma_wait3A_556 = tpu.memref_squeeze %dma_wait3A_555 : memref<1x64x768xf32, #tpu.memory_space<hbm>> -> memref<64x768xf32, #tpu.memory_space<hbm>>
    %dma_wait3A_557 = arith.constant 0 : i32
    %dma_wait3A_558 = arith.constant 0 : i32
    %dma_wait3A_559 = tpu.memref_slice %arg3[%add3A_293, %dma_wait3A_557, %dma_wait3A_558] : memref<1024x64x768xf32, #tpu.memory_space<hbm>> -> memref<1x64x768xf32, #tpu.memory_space<hbm>>
    %dma_wait3A_560 = tpu.memref_squeeze %dma_wait3A_559 : memref<1x64x768xf32, #tpu.memory_space<hbm>> -> memref<64x768xf32, #tpu.memory_space<hbm>>
    tpu.wait_dma2 semaphore(%arg5 : memref<!tpu.dma_semaphore, #tpu.memory_space<semaphore_mem>>) src(%arg4 : memref<64x768xf32, #tpu.memory_space<vmem>>) dst(%dma_wait3A_560 : memref<64x768xf32, #tpu.memory_space<hbm>>)
    %dma_wait3A_561 = arith.constant 0 : i32
    %dma_wait3A_562 = arith.constant 0 : i32
    %dma_wait3A_563 = tpu.memref_slice %arg3[%add3A_303, %dma_wait3A_561, %dma_wait3A_562] : memref<1024x64x768xf32, #tpu.memory_space<hbm>> -> memref<1x64x768xf32, #tpu.memory_space<hbm>>
    %dma_wait3A_564 = tpu.memref_squeeze %dma_wait3A_563 : memref<1x64x768xf32, #tpu.memory_space<hbm>> -> memref<64x768xf32, #tpu.memory_space<hbm>>
    %dma_wait3A_565 = arith.constant 0 : i32
    %dma_wait3A_566 = arith.constant 0 : i32
    %dma_wait3A_567 = tpu.memref_slice %arg3[%add3A_303, %dma_wait3A_565, %dma_wait3A_566] : memref<1024x64x768xf32, #tpu.memory_space<hbm>> -> memref<1x64x768xf32, #tpu.memory_space<hbm>>
    %dma_wait3A_568 = tpu.memref_squeeze %dma_wait3A_567 : memref<1x64x768xf32, #tpu.memory_space<hbm>> -> memref<64x768xf32, #tpu.memory_space<hbm>>
    tpu.wait_dma2 semaphore(%arg5 : memref<!tpu.dma_semaphore, #tpu.memory_space<semaphore_mem>>) src(%arg4 : memref<64x768xf32, #tpu.memory_space<vmem>>) dst(%dma_wait3A_568 : memref<64x768xf32, #tpu.memory_space<hbm>>)
    %dma_wait3A_569 = arith.constant 0 : i32
    %dma_wait3A_570 = arith.constant 0 : i32
    %dma_wait3A_571 = tpu.memref_slice %arg3[%add3A_313, %dma_wait3A_569, %dma_wait3A_570] : memref<1024x64x768xf32, #tpu.memory_space<hbm>> -> memref<1x64x768xf32, #tpu.memory_space<hbm>>
    %dma_wait3A_572 = tpu.memref_squeeze %dma_wait3A_571 : memref<1x64x768xf32, #tpu.memory_space<hbm>> -> memref<64x768xf32, #tpu.memory_space<hbm>>
    %dma_wait3A_573 = arith.constant 0 : i32
    %dma_wait3A_574 = arith.constant 0 : i32
    %dma_wait3A_575 = tpu.memref_slice %arg3[%add3A_313, %dma_wait3A_573, %dma_wait3A_574] : memref<1024x64x768xf32, #tpu.memory_space<hbm>> -> memref<1x64x768xf32, #tpu.memory_space<hbm>>
    %dma_wait3A_576 = tpu.memref_squeeze %dma_wait3A_575 : memref<1x64x768xf32, #tpu.memory_space<hbm>> -> memref<64x768xf32, #tpu.memory_space<hbm>>
    tpu.wait_dma2 semaphore(%arg5 : memref<!tpu.dma_semaphore, #tpu.memory_space<semaphore_mem>>) src(%arg4 : memref<64x768xf32, #tpu.memory_space<vmem>>) dst(%dma_wait3A_576 : memref<64x768xf32, #tpu.memory_space<hbm>>)
    return
  }
}

module attributes {stable_mosaic.version = 14 : i64} {
  func.func @_tc_body(%arg0: i32, %arg1: memref<64x768xf32, #tpu.memory_space<vmem>>, %arg2: memref<8x64x768xf32, #tpu.memory_space<vmem>>) attributes {dimension_semantics = [#tpu.dimension_semantics<arbitrary>], iteration_bounds = array<i64: 128>, scalar_prefetch = 0 : i64, scratch_operands = 0 : i64, tpu.core_type = #tpu.core_type<tc>, window_params = [{pipeline_mode = #tpu.pipeline_mode<synchronous>, transform_indices = @transform_0, window_bounds = array<i64: 64, 768>}, {transform_indices = @transform_1, window_bounds = array<i64: 8, 64, 768>}]} {
    %get3A = arith.constant 0 : index
    %get3A_0 = arith.constant 0 : index
    %get3A_1 = vector.load %arg1[%get3A, %get3A_0] : memref<64x768xf32, #tpu.memory_space<vmem>>, vector<64x768xf32>
    %broadcast_in_dim3A = vector.shape_cast %get3A_1 : vector<64x768xf32> to vector<1x64x768xf32>
    %broadcast_in_dim3A_2 = vector.shape_cast %broadcast_in_dim3A : vector<1x64x768xf32> to vector<1x64x768xf32>
    %broadcast_in_dim3A_3 = vector.broadcast %broadcast_in_dim3A_2 : vector<1x64x768xf32> to vector<8x64x768xf32>
    %swap3A = arith.constant 0 : index
    %swap3A_4 = arith.constant 0 : index
    %swap3A_5 = arith.constant 0 : index
    %swap3A_6 = vector.load %arg2[%swap3A, %swap3A_4, %swap3A_5] : memref<8x64x768xf32, #tpu.memory_space<vmem>>, vector<8x64x768xf32>
    tpu.vector_store %arg2[%swap3A, %swap3A_4, %swap3A_5], %broadcast_in_dim3A_3 {strides = array<i32>} : memref<8x64x768xf32, #tpu.memory_space<vmem>>, vector<8x64x768xf32>,
    return
  }
  func.func @transform_0(%arg0: i32) -> (i32, i32) {
    %c0_i32 = arith.constant 0 : i32
    %c0_i32_0 = arith.constant 0 : i32
    %c0_i32_1 = arith.constant 0 : i32
    return %c0_i32, %c0_i32_0 : i32, i32
  }
  func.func @transform_1(%arg0: i32) -> (i32, i32, i32) {
    %c0_i32 = arith.constant 0 : i32
    %c0_i32_0 = arith.constant 0 : i32
    %c0_i32_1 = arith.constant 0 : i32
    return %arg0, %c0_i32, %c0_i32_0 : i32, i32, i32
  }
}

</mosaic_0001>

<sc_bundles>
// kernel: kernel.4.cloned.1.call-start
scs
__scs_entry_jumppad:
0x0: {  	(pc) =	sbr.rel $0x88, $3  }
0x1: {  	(tag) =	ssettag $0x0;
	lr =	simm.s32 $0x1  }
0x2: {  	[smem:$0x3F9F] =	sst lr;
	_ =	strace $0xD0000000  }
0x3: {  	_ = 	snop  }
0x4: {  	_ = 	snop  }
0x5: {  	_ = 	snop  }
0x6: {  	_ = 	snop  }
0x7: {  	_ = 	snop  }
__scs_overlays_trampoline_lowered:
0x8: {  	[smem:$0x3FAE] =	sst s0  }
0x9: {  	[smem:$0x3FAF] =	sst s1  }
0xa: {  	[smem:$0x3FB0] =	sst s2  }
0xb: {  	[smem:$0x3FB1] =	sst s3  }
0xc: {  	[smem:$0x3FB2] =	sst s4  }
0xd: {  	[smem:$0x3FB3] =	sst s5  }
0xe: {  	[smem:$0x3FB4] =	sst s6  }
0xf: {  	[smem:$0x3FB5] =	sst s7  }
0x10: {  	[smem:$0x3FB6] =	sst s8  }
0x11: {  	[smem:$0x3FB7] =	sst s9;
	s0 =	simm.s32 @!p0 $0x0  }
0x12: {  	s1 =	sld [smem:$0x3F9D];
	s0 =	simm.s32 @p0 $0x1  }
0x13: {  	[smem:$0x3FB8] =	sst s0;
	s0 =	simm.s32 @!p1 $0x0  }
0x14: {  	s2 =	sld [smem:$0x3F9C];
	s0 =	simm.s32 @p1 $0x1  }
0x15: {  	[smem:$0x3FB9] =	sst s0;
	s0 =	simm.s32 @!p2 $0x0  }
0x16: {  	s3 =	sld [smem:$0x3FDB];
	s0 =	simm.s32 @p2 $0x1  }
0x17: {  	s4 =	simm.s32 $0x1BF5;
	[smem:$0x3FBB] =	sst s0  }
0x18: {  	s0 =	sld [smem:$0x3F9E];
	_ =	swait.ge [sflag:s4], $0x0  }
0x19: {  	s7 =	sld [smem:$0x3F9F]  }
0x1a: {  	s8 =	sadd.s32 $0xFFFFE003, lr  }
0x1b: {  	s9 =	sadd.s32 $0xFFFFFEF7, lr;
	s5 =	simm.s32 $0xFFFFFFFF;
	p2 =	slt.u32 s8, $0xFFFFF086  }
0x1c: {  	p1 =	slt.u32 s9, $0xF7A;
	s5 =	simm.s32 @!p2 $0x0  }
0x1d: {  	s5 =	simm.s32 @p1 $0x1;
	p0 =	seq.s32 s7, s2  }
0x1e: {  	s7 =	smul.u32 @!p0 $0xF7A, s2;
	p2 =	seq.s32 @!p0 s5, $0x0  }
0x1f: {  	s9 =	smul.u32 $0xF7A, s1;
	s8 =	simm.s32 @!p0 $0x1BF5;
	p2 =	por !p2, p0  }
0x20: {  	[sflag:s8] =	ssyncset.s32 @!p0 $0xFFFFF086;
	s6 =	sadd.s32 @!p0 s3, s7;
	s7 =	simm.s32 @!p0 $0x108  }
0x21: {  	s3 =	sadd.s32 s3, s9;
	s6 =	sadd.s32 @!p0 $0x88, s6;
	s7 =	simm.s32 @p2 $0x1082  }
0x22: {  	[simem:s7], [sflag:s8] =	dma.local @!p0 [hbm:s6], $0xF7A  }
0x23: {  	s9 =	sor.u32 $0xD0000000, s2;
	s6 =	simm.s32 $0x108;
	_ =	swait.ge @!p0 [sflag:s8], $0x0  }
0x24: {  	s3 =	sadd.s32 $0x88, s3;
	s6 =	simm.s32 @!p1 $0x1082;
	[sflag:s4] =	ssyncset.s32 $0xFFFFF086  }
0x25: {  	[simem:s6], [sflag:s4] =	dma.local [hbm:s3], $0xF7A  }
0x26: {  	[smem:$0x3F9F] =	sst s1;
	(tag) =	ssettag s2;
	_ =	strace s9  }
0x27: {  	s1 =	sld [smem:$0x3FAF]  }
0x28: {  	s2 =	sld [smem:$0x3FB0]  }
0x29: {  	s4 =	sld [smem:$0x3FB2]  }
0x2a: {  	p0 =	seq.s32 s5, $0x0;
	s5 =	sld [smem:$0x3FB3]  }
0x2b: {  	s6 =	sld [smem:$0x3FB4]  }
0x2c: {  	s7 =	sld [smem:$0x3FB5]  }
0x2d: {  	s3 =	simm.s32 $0x108;
	s8 =	sld [smem:$0x3FB6]  }
0x2e: {  	s3 =	simm.s32 @!p0 $0x1082;
	s9 =	sld [smem:$0x3FB7]  }
0x2f: {  	lr =	sadd.s32 s0, s3;
	s0 =	sld [smem:$0x3FAE]  }
0x30: {  	s3 =	sld [smem:$0x3FB1]  }
0x31: {  	[smem:$0x3FBA] =	sst s10  }
0x32: {  	s10 =	sld [smem:$0x3FB8];
	_ =	sdelay $0x3  }
0x33: {  	p0 =	seq.s32 s10, $0x1;
	s10 =	sld [smem:$0x3FBA];
	_ =	sdelay $0x3  }
0x34: {  	[smem:$0x3FBA] =	sst s10  }
0x35: {  	s10 =	sld [smem:$0x3FB9];
	_ =	sdelay $0x3  }
0x36: {  	p1 =	seq.s32 s10, $0x1;
	s10 =	sld [smem:$0x3FBA];
	_ =	sdelay $0x3  }
0x37: {  	[smem:$0x3FBA] =	sst s10  }
0x38: {  	s10 =	sld [smem:$0x3FBB]  }
0x39: {  	_ = 	snop;
	(pc) =	sbr.ind lr, $3  }
0x3a: {  	_ = 	snop  }
0x3b: {  	_ = 	snop  }
0x3c: {  	p2 =	seq.s32 s10, $0x1;
	s10 =	sld [smem:$0x3FBA]  }
0x3d: {  	_ =	shalt  }
0x3e: {  	_ =	shalt  }
0x3f: {  	_ =	shalt  }
0x40: {  	_ =	shalt  }
0x41: {  	_ =	shalt  }
0x42: {  	_ =	shalt  }
0x43: {  	_ =	shalt  }
0x44: {  	_ =	shalt  }
0x45: {  	_ =	shalt  }
0x46: {  	_ =	shalt  }
0x47: {  	_ =	shalt  }
0x48: {  	_ =	shalt  }
0x49: {  	_ =	shalt  }
0x4a: {  	_ =	shalt  }
0x4b: {  	_ =	shalt  }
0x4c: {  	_ =	shalt  }
0x4d: {  	_ =	shalt  }
0x4e: {  	_ =	shalt  }
0x4f: {  	_ =	shalt  }
0x50: {  	_ =	shalt  }
0x51: {  	_ =	shalt  }
0x52: {  	_ =	shalt  }
0x53: {  	_ =	shalt  }
0x54: {  	_ =	shalt  }
0x55: {  	_ =	shalt  }
0x56: {  	_ =	shalt  }
0x57: {  	_ =	shalt  }
0x58: {  	_ =	shalt  }
0x59: {  	_ =	shalt  }
0x5a: {  	_ =	shalt  }
0x5b: {  	_ =	shalt  }
0x5c: {  	_ =	shalt  }
0x5d: {  	_ =	shalt  }
0x5e: {  	_ =	shalt  }
0x5f: {  	_ =	shalt  }
0x60: {  	_ =	shalt  }
0x61: {  	_ =	shalt  }
0x62: {  	_ =	shalt  }
0x63: {  	_ =	shalt  }
0x64: {  	_ =	shalt  }
0x65: {  	_ =	shalt  }
0x66: {  	_ =	shalt  }
0x67: {  	_ =	shalt  }
0x68: {  	_ =	shalt  }
0x69: {  	_ =	shalt  }
0x6a: {  	_ =	shalt  }
0x6b: {  	_ =	shalt  }
0x6c: {  	_ =	shalt  }
0x6d: {  	_ =	shalt  }
0x6e: {  	_ =	shalt  }
0x6f: {  	_ =	shalt  }
0x70: {  	_ =	shalt  }
0x71: {  	_ =	shalt  }
0x72: {  	_ =	shalt  }
0x73: {  	_ =	shalt  }
0x74: {  	_ =	shalt  }
0x75: {  	_ =	shalt  }
0x76: {  	_ =	shalt  }
0x77: {  	_ =	shalt  }
0x78: {  	_ =	shalt  }
0x79: {  	_ =	shalt  }
0x7a: {  	_ =	shalt  }
0x7b: {  	_ =	shalt  }
0x7c: {  	_ =	shalt  }
0x7d: {  	_ =	shalt  }
0x7e: {  	_ =	shalt  }
0x7f: {  	_ =	shalt  }
0x80: {  	_ =	shalt  }
0x81: {  	_ =	shalt  }
0x82: {  	_ =	shalt  }
0x83: {  	_ =	shalt  }
0x84: {  	_ =	shalt  }
0x85: {  	_ =	shalt  }
0x86: {  	_ =	shalt  }
0x87: {  	_ =	shalt  }
.Lfunc_end0:
.L_simem_size_0:
called_computation_lowered:
.L_overlay_start_0:
0x88: {  	s2 =	sld [smem:$0x3FD9]  }
0x89: {  	s3 =	sld [smem:$0x3FFE];
	_ =	sdelay $0x1  }
0x8a: {  	s1 =	srdreg.scid  }
0x8b: {  	s0 =	sand.u32 $0x1, s1  }
0x8c: {  	s15 =	sshll.u32 s0, $0xA;
	s2 =	sadd.s32 s3, s2  }
0x8d: {  	s2 =	sadd.s32 s2, s15  }
0x8e: {  	[smem:$0x3FC6] =	sst s2  }
0x8f: {  	_ = 	snop  }
0x90: {  	s2 =	sld [smem:$0x3FD0];
	_ =	sdelay $0x2  }
0x91: {  	s4 =	simm.s32 $0xA;
	s5 =	simm.s32 $0x10;
	s16 =	sld [smem:$0x3FC8]  }
0x92: {  	[smem:s5], [sflag:s4] =	dma.local [hbm:s2], $0x1  }
0x93: {  	_ =	swait.eq [sflag:s4], $0x1  }
0x94: {  	[sflag:s4] =	ssyncset.done $0x0  }
0x95: {  	[sflag:s4] =	ssyncadd.s32 $0xFFFFFFFF  }
0x96: {  	s17 =	sld [smem:$0x11];
	(tm) =	ssettm $0x1  }
0x97: {  	s18 =	sld [smem:$0x3FFB];
	_ =	sdelay $0x3  }
0x98: {  	_ =	strace s18  }
0x99: {  	s4 =	sld [smem:$0x3FFC];
	_ =	sdelay $0x3  }
0x9a: {  	_ =	strace s4  }
0x9b: {  	s4 =	sld [smem:$0x3FFD];
	_ =	sdelay $0x3  }
0x9c: {  	_ =	strace s4  }
0x9d: {  	_ =	strace $0x8FFFFFFF  }
0x9e: {  	s19 =	sld [smem:$0x3FDB];
	_ =	sdelay $0x1  }
0x9f: {  	s20 =	simm.s32 $_scs_section_size  }
0xa0: {  	s6 =	simm.s32 $_size__tile_overlayer_lowered;
	s7 =	simm.s32 $_tile_overlayer_lowered  }
0xa1: {  	s23 =	simm.s32 $0x1BFF;
	s22 =	sshll.u32 s7, $0x1;
	s4 =	sadd.s32 s20, s19  }
0xa2: {  	s8 =	simm.s32 $0x0;
	s21 =	sshll.u32 s6, $0x1;
	s6 =	sadd.s32 s22, s4  }
0xa3: {  	[timem:s8], [sflag:s23] =	dma.local [hbm:s6], s21  }
0xa4: {  	_ =	swait.ge [sflag:s23], s21  }
0xa5: {  	s5 =	ssub.s32 $0x0, s21;
	[sflag:s23] =	ssyncset.done $0x0  }
0xa6: {  	[sflag:s23] =	ssyncadd.s32 s5;
	_ =	sdelay $0x1  }
0xa7: {  	s24 =	simm.s32 $0x1B8B  }
0xa8: {  	_ =	swait.ge [sflag:s24], $0x1  }
0xa9: {  	[sflag:s24] =	ssyncset.done $0x0  }
0xaa: {  	s25 =	simm.s32 $0x1B8E;
	[sflag:s24] =	ssyncadd.s32 $0xFFFFFFFF  }
0xab: {  	s26 =	simm.s32 $execute0_lowered;
	[smem:$0x3FD2] =	sst s25  }
0xac: {  	s5 =	sshll.u32 s26, $0x1;
	_ =	strace $0x80000046;
	[dreg:$0x1] =	wrdreg $0xFFFFFFFF  }
0xad: {  	s28 =	simm.s32 $_size_execute0_lowered;
	s4 =	sadd.s32 s4, s5;
	[dreg:$0x0] =	wrdreg $0x0  }
0xae: {  	s5 =	sshll.u32 s28, $0x1;
	[dreg:$0x2] =	wrdreg s4  }
0xaf: {  	[dreg:$0x3] =	wrdreg s5  }
0xb0: {  	[dreg:$0x4] =	wrdreg $0xC0  }
0xb1: {  	_ =	task [dreg:s8], $0x5FFFF  }
0xb2: {  	[dreg:$0x1] =	wrdreg $0xFFFFFFFF  }
0xb3: {  	[dreg:$0x0] =	wrdreg $0x60  }
0xb4: {  	[dreg:$0x2] =	wrdreg s16  }
0xb5: {  	[dreg:$0x3] =	wrdreg s17  }
0xb6: {  	[dreg:$0x4] =	wrdreg $0x9  }
0xb7: {  	_ =	task.clear_ibuf [dreg:s8], $0x5FFFF;
	_ =	strace $0x90000046  }
0xb8: {  	s29 =	simm.s32 $0x9;
	_ =	strace $0x80000048  }
0xb9: {  	_ =	swait.ge [sflag:s29], $0x1  }
0xba: {  	[sflag:s29] =	ssyncadd.s32 $0xFFFFFFFF  }
0xbb: {  	_ =	strace $0x90000048  }
0xbc: {  	_ =	sfence  }
0xbd: {  	s30 =	sld [smem:$0x0];
	_ =	sdelay $0x2  }
0xbe: {  	s31 =	sshll.u32 s1, $0xD;
	s1 =	sshrl.u32 s1, $0x2  }
0xbf: {  	s3 =	sand.u32 $0x4000, s31;
	s1 =	sadd.s32 s1, s30  }
0xc0: {  	s0 =	sor.u32 s3, s0;
	s1 =	sshll.u32 s1, $0x11  }
0xc1: {  	s0 =	sor.u32 s1, s0  }
0xc2: {  	s0 =	sadd.s32 $0x8F2B, s0  }
0xc3: {  	[sflag:s0] =	ssyncadd.remote.s32 $0x1  }
0xc4: {  	_ =	sfence.sel $0xFFFF  }
0xc5: {  	[dreg:$0x0] =	wrdreg $0xFFFFFFFF;
	(pc) =	sbr.abs _section_cstart, $3  }
0xc6: {  	[dreg:$0x1] =	wrdreg $0xFFFFFFFF  }
0xc7: {  	_ =	task.clear_ibuf [dreg:s8], $0x2FFFF;
	_ =	strace $0x9FFFFFFF  }
0xc8: {  	(tm) =	ssettm $0x7FFFFFFF  }
0xc9: {  	_ =	shalt  }
tec
execute0_lowered:
.L_overlay_start_1:
0x0: {  	(tag) =	ssettag $0x1  }
0x1: {  	s0 =	srdreg.scid;
	s1 =	rddreg [dreg:$0x0]  }
0x2: {  	s2 =	stileid.u32;
	s21 =	rddreg [dreg:$0x1];
	s0 =	sand.u32 $0x1, s0  }
0x3: {  	p0 =	por $0x0, $0x0;
	s2 =	sshll.u32 s2, $0x6;
	s3 =	sshll.u32 s0, $0x5  }
0x4: {  	s31 =	simm.s32 $0x2;
	[dreg:$0x3] =	wrdreg s1;
	s20 =	sor.u32 s3, s2  }
0x5: {  	s0 =	ssub.s32 $0x2, s0;
	s3 =	simm.s32 $0x0;
	s4 =	smul.u32 $0x1800, s20  }
0x6: {  	s6 =	sshrl.u32 s0, $0x1;
	s2 =	simm.s32 $0x1;
	[smem:$0x7FF] =	sst s3  }
0x7: {  	s1 =	smul.u32 $0xC000, s20;
	s0 =	ssub.s32 s0, s6;
	s4 =	sadd.s32 s21, s4  }
0x8: {  	_ =	strace $0x80000047;
	s0 =	smax.u32 s0, $0x1;
	s5 =	sadd.s32 $0x1800, s4  }
0x9: {  	s1 =	sshrl.u32 s1, $0x3;
	s22 =	sadd.s32 $0x3000, s4;
	[dreg:$0x4] =	wrdreg s5  }
0xa: {  	p1 =	sne.s32 s0, $0x1;
	s23 =	sadd.s32 $0x4800, s4;
	[dreg:$0x5] =	wrdreg s22  }
0xb: {  	s24 =	sadd.s32 $0x6000, s4;
	s25 =	sadd.s32 $0x7800, s4;
	[dreg:$0x6] =	wrdreg s23  }
0xc: {  	s26 =	sadd.s32 $0x9000, s4;
	s1 =	sadd.s32 s21, s1;
	[dreg:$0x7] =	wrdreg s24  }
0xd: {  	s28 =	sadd.s32 $0xC000, s4;
	s29 =	sadd.s32 $0xD800, s4;
	[dreg:$0x8] =	wrdreg s25  }
0xe: {  	s30 =	sadd.s32 $0xF000, s4;
	[dreg:$0x9] =	wrdreg s26;
	s5 =	sadd.s32 $0x10800, s1  }
0xf: {  	s6 =	sadd.s32 $0x12000, s1;
	s7 =	sadd.s32 $0x13800, s1;
	s8 =	sadd.s32 $0x15000, s1  }
0x10: {  	s9 =	sadd.s32 $0x16800, s1;
	s10 =	sadd.s32 $0x18000, s1;
	s11 =	sadd.s32 $0x19800, s1  }
0x11: {  	s12 =	sadd.s32 $0x1B000, s1;
	s13 =	sadd.s32 $0x1C800, s1;
	s14 =	sadd.s32 $0x1E000, s1  }
.Ltmp0:
0x12: {  	s15 =	sadd.s32 $0x1F800, s1;
	s16 =	sadd.s32 $0x21000, s1;
	(pc) =	sbr.rel @!p1 .LBB2_3-.Ltmp0, $4  }
0x13: {  	s17 =	sadd.s32 $0x22800, s1;
	s18 =	sadd.s32 $0x24000, s1;
	s19 =	sadd.s32 $0x25800, s1  }
0x14: {  	s20 =	sadd.s32 $0x27000, s1;
	s21 =	sadd.s32 $0x28800, s1;
	s22 =	sadd.s32 $0x2A000, s1  }
0x15: {  	s23 =	sadd.s32 $0x2B800, s1;
	s24 =	sadd.s32 $0x2D000, s1;
	s25 =	sadd.s32 $0x2E800, s1  }
0x16: {  	s1 =	sadd.s32 $0xFFFFFFFF, s0;
	s26 =	sadd.s32 $0xA800, s4;
	s0 =	rddreg [dreg:$0x3]  }
0x17: {  	[tilespmem:s3], [sflag:$0x2] =	stream.linear.gather [hbm4b:s0+s3], $0xC000, $0x38;
	[tilespmem:$0xC000] =	vst v63  }
0x18: {  	_ =	swait.ge [sflag:s31], $0xC000  }
0x19: {  	[sflag:s31] =	ssyncset.done $0x0  }
0x1a: {  	[dreg:$0xa] =	wrdreg s1;
	[sflag:s31] =	ssyncadd.s32 $0xFFFF4000  }
0x1b: {  	[hbm4b:s4+s3] =	stream.linear.scatter [tilespmem:s3], [sflag:$0x1], $0xC000, $0x38;
	[tilespmem:$0xC000] =	vst v63  }
0x1c: {  	s0 =	rddreg [dreg:$0x4]  }
0x1d: {  	[hbm4b:s0+s3] =	stream.linear.scatter [tilespmem:s3], [sflag:$0x1], $0xC000, $0x38;
	[tilespmem:$0xC000] =	vst v63  }
0x1e: {  	s1 =	rddreg [dreg:$0x5]  }
0x1f: {  	[hbm4b:s1+s3] =	stream.linear.scatter [tilespmem:s3], [sflag:$0x1], $0xC000, $0x38;
	[tilespmem:$0xC000] =	vst v63  }
0x20: {  	s0 =	rddreg [dreg:$0x6]  }
0x21: {  	[hbm4b:s0+s3] =	stream.linear.scatter [tilespmem:s3], [sflag:$0x1], $0xC000, $0x38;
	[tilespmem:$0xC000] =	vst v63  }
0x22: {  	s1 =	rddreg [dreg:$0x7]  }
0x23: {  	[hbm4b:s1+s3] =	stream.linear.scatter [tilespmem:s3], [sflag:$0x1], $0xC000, $0x38;
	[tilespmem:$0xC000] =	vst v63  }
0x24: {  	s0 =	rddreg [dreg:$0x8]  }
0x25: {  	[hbm4b:s0+s3] =	stream.linear.scatter [tilespmem:s3], [sflag:$0x1], $0xC000, $0x38;
	[tilespmem:$0xC000] =	vst v63  }
0x26: {  	s1 =	rddreg [dreg:$0x9]  }
0x27: {  	[hbm4b:s1+s3] =	stream.linear.scatter [tilespmem:s3], [sflag:$0x1], $0xC000, $0x38;
	[tilespmem:$0xC000] =	vst v63  }
0x28: {  	_ = 	snop  }
0x29: {  	[hbm4b:s26+s3] =	stream.linear.scatter [tilespmem:s3], [sflag:$0x1], $0xC000, $0x38;
	[tilespmem:$0xC000] =	vst v63  }
0x2a: {  	_ = 	snop  }
0x2b: {  	[hbm4b:s28+s3] =	stream.linear.scatter [tilespmem:s3], [sflag:$0x1], $0xC000, $0x38;
	[tilespmem:$0xC000] =	vst v63  }
0x2c: {  	_ = 	snop  }
0x2d: {  	[hbm4b:s29+s3] =	stream.linear.scatter [tilespmem:s3], [sflag:$0x1], $0xC000, $0x38;
	[tilespmem:$0xC000] =	vst v63  }
0x2e: {  	_ = 	snop  }
0x2f: {  	[hbm4b:s30+s3] =	stream.linear.scatter [tilespmem:s3], [sflag:$0x1], $0xC000, $0x38;
	[tilespmem:$0xC000] =	vst v63  }
0x30: {  	_ = 	snop  }
0x31: {  	[hbm4b:s5+s3] =	stream.linear.scatter [tilespmem:s3], [sflag:$0x1], $0xC000, $0x38;
	[tilespmem:$0xC000] =	vst v63  }
0x32: {  	_ = 	snop  }
0x33: {  	[hbm4b:s6+s3] =	stream.linear.scatter [tilespmem:s3], [sflag:$0x1], $0xC000, $0x38;
	[tilespmem:$0xC000] =	vst v63  }
0x34: {  	_ = 	snop  }
0x35: {  	[hbm4b:s7+s3] =	stream.linear.scatter [tilespmem:s3], [sflag:$0x1], $0xC000, $0x38;
	[tilespmem:$0xC000] =	vst v63  }
0x36: {  	_ = 	snop  }
0x37: {  	[hbm4b:s8+s3] =	stream.linear.scatter [tilespmem:s3], [sflag:$0x1], $0xC000, $0x38;
	[tilespmem:$0xC000] =	vst v63  }
0x38: {  	_ = 	snop  }
0x39: {  	[hbm4b:s9+s3] =	stream.linear.scatter [tilespmem:s3], [sflag:$0x1], $0xC000, $0x38;
	[tilespmem:$0xC000] =	vst v63  }
0x3a: {  	_ = 	snop  }
0x3b: {  	[hbm4b:s10+s3] =	stream.linear.scatter [tilespmem:s3], [sflag:$0x1], $0xC000, $0x38;
	[tilespmem:$0xC000] =	vst v63  }
0x3c: {  	_ = 	snop  }
0x3d: {  	[hbm4b:s11+s3] =	stream.linear.scatter [tilespmem:s3], [sflag:$0x1], $0xC000, $0x38;
	[tilespmem:$0xC000] =	vst v63  }
0x3e: {  	_ = 	snop  }
0x3f: {  	[hbm4b:s12+s3] =	stream.linear.scatter [tilespmem:s3], [sflag:$0x1], $0xC000, $0x38;
	[tilespmem:$0xC000] =	vst v63  }
0x40: {  	_ = 	snop  }
0x41: {  	[hbm4b:s13+s3] =	stream.linear.scatter [tilespmem:s3], [sflag:$0x1], $0xC000, $0x38;
	[tilespmem:$0xC000] =	vst v63  }
0x42: {  	_ = 	snop  }
0x43: {  	[hbm4b:s14+s3] =	stream.linear.scatter [tilespmem:s3], [sflag:$0x1], $0xC000, $0x38;
	[tilespmem:$0xC000] =	vst v63  }
0x44: {  	_ = 	snop  }
0x45: {  	[hbm4b:s15+s3] =	stream.linear.scatter [tilespmem:s3], [sflag:$0x1], $0xC000, $0x38;
	[tilespmem:$0xC000] =	vst v63  }
0x46: {  	_ = 	snop  }
0x47: {  	[hbm4b:s16+s3] =	stream.linear.scatter [tilespmem:s3], [sflag:$0x1], $0xC000, $0x38;
	[tilespmem:$0xC000] =	vst v63  }
0x48: {  	_ = 	snop  }
0x49: {  	[hbm4b:s17+s3] =	stream.linear.scatter [tilespmem:s3], [sflag:$0x1], $0xC000, $0x38;
	[tilespmem:$0xC000] =	vst v63  }
0x4a: {  	_ = 	snop  }
0x4b: {  	[hbm4b:s18+s3] =	stream.linear.scatter [tilespmem:s3], [sflag:$0x1], $0xC000, $0x38;
	[tilespmem:$0xC000] =	vst v63  }
0x4c: {  	_ = 	snop  }
0x4d: {  	[hbm4b:s19+s3] =	stream.linear.scatter [tilespmem:s3], [sflag:$0x1], $0xC000, $0x38;
	[tilespmem:$0xC000] =	vst v63  }
0x4e: {  	_ = 	snop  }
0x4f: {  	[hbm4b:s20+s3] =	stream.linear.scatter [tilespmem:s3], [sflag:$0x1], $0xC000, $0x38;
	[tilespmem:$0xC000] =	vst v63  }
0x50: {  	_ = 	snop  }
0x51: {  	[hbm4b:s21+s3] =	stream.linear.scatter [tilespmem:s3], [sflag:$0x1], $0xC000, $0x38;
	[tilespmem:$0xC000] =	vst v63  }
0x52: {  	_ = 	snop  }
0x53: {  	[hbm4b:s22+s3] =	stream.linear.scatter [tilespmem:s3], [sflag:$0x1], $0xC000, $0x38;
	[tilespmem:$0xC000] =	vst v63  }
0x54: {  	_ = 	snop  }
0x55: {  	[hbm4b:s23+s3] =	stream.linear.scatter [tilespmem:s3], [sflag:$0x1], $0xC000, $0x38;
	[tilespmem:$0xC000] =	vst v63  }
0x56: {  	_ = 	snop  }
0x57: {  	[hbm4b:s24+s3] =	stream.linear.scatter [tilespmem:s3], [sflag:$0x1], $0xC000, $0x38;
	[tilespmem:$0xC000] =	vst v63  }
0x58: {  	_ = 	snop  }
0x59: {  	[hbm4b:s25+s3] =	stream.linear.scatter [tilespmem:s3], [sflag:$0x1], $0xC000, $0x38;
	[tilespmem:$0xC000] =	vst v63  }
0x5a: {  	_ =	swait.ge [sflag:s2], $0xC000  }
0x5b: {  	[sflag:s2] =	ssyncset.done $0x0  }
0x5c: {  	[sflag:s2] =	ssyncadd.s32 $0xFFFF4000  }
0x5d: {  	_ =	swait.ge [sflag:s2], $0xC000  }
0x5e: {  	[sflag:s2] =	ssyncset.done $0x0  }
0x5f: {  	[sflag:s2] =	ssyncadd.s32 $0xFFFF4000  }
0x60: {  	_ =	swait.ge [sflag:s2], $0xC000  }
0x61: {  	[sflag:s2] =	ssyncset.done $0x0  }
0x62: {  	[sflag:s2] =	ssyncadd.s32 $0xFFFF4000  }
0x63: {  	_ =	swait.ge [sflag:s2], $0xC000  }
0x64: {  	[sflag:s2] =	ssyncset.done $0x0  }
0x65: {  	[sflag:s2] =	ssyncadd.s32 $0xFFFF4000  }
0x66: {  	_ =	swait.ge [sflag:s2], $0xC000  }
0x67: {  	[sflag:s2] =	ssyncset.done $0x0  }
0x68: {  	[sflag:s2] =	ssyncadd.s32 $0xFFFF4000  }
0x69: {  	_ =	swait.ge [sflag:s2], $0xC000  }
0x6a: {  	[sflag:s2] =	ssyncset.done $0x0  }
0x6b: {  	[sflag:s2] =	ssyncadd.s32 $0xFFFF4000  }
0x6c: {  	_ =	swait.ge [sflag:s2], $0xC000  }
0x6d: {  	[sflag:s2] =	ssyncset.done $0x0  }
0x6e: {  	[sflag:s2] =	ssyncadd.s32 $0xFFFF4000  }
0x6f: {  	_ =	swait.ge [sflag:s2], $0xC000  }
0x70: {  	[sflag:s2] =	ssyncset.done $0x0  }
0x71: {  	[sflag:s2] =	ssyncadd.s32 $0xFFFF4000  }
0x72: {  	_ =	swait.ge [sflag:s2], $0xC000  }
0x73: {  	[sflag:s2] =	ssyncset.done $0x0  }
0x74: {  	[sflag:s2] =	ssyncadd.s32 $0xFFFF4000  }
0x75: {  	_ =	swait.ge [sflag:s2], $0xC000  }
0x76: {  	[sflag:s2] =	ssyncset.done $0x0  }
0x77: {  	[sflag:s2] =	ssyncadd.s32 $0xFFFF4000  }
0x78: {  	_ =	swait.ge [sflag:s2], $0xC000  }
0x79: {  	[sflag:s2] =	ssyncset.done $0x0  }
0x7a: {  	[sflag:s2] =	ssyncadd.s32 $0xFFFF4000  }
0x7b: {  	_ =	swait.ge [sflag:s2], $0xC000  }
0x7c: {  	[sflag:s2] =	ssyncset.done $0x0  }
0x7d: {  	[sflag:s2] =	ssyncadd.s32 $0xFFFF4000  }
0x7e: {  	_ =	swait.ge [sflag:s2], $0xC000  }
0x7f: {  	[sflag:s2] =	ssyncset.done $0x0  }
0x80: {  	[sflag:s2] =	ssyncadd.s32 $0xFFFF4000  }
0x81: {  	_ =	swait.ge [sflag:s2], $0xC000  }
0x82: {  	[sflag:s2] =	ssyncset.done $0x0  }
0x83: {  	[sflag:s2] =	ssyncadd.s32 $0xFFFF4000  }
0x84: {  	_ =	swait.ge [sflag:s2], $0xC000  }
0x85: {  	[sflag:s2] =	ssyncset.done $0x0  }
0x86: {  	[sflag:s2] =	ssyncadd.s32 $0xFFFF4000  }
0x87: {  	_ =	swait.ge [sflag:s2], $0xC000  }
0x88: {  	[sflag:s2] =	ssyncset.done $0x0  }
0x89: {  	[sflag:s2] =	ssyncadd.s32 $0xFFFF4000  }
0x8a: {  	_ =	swait.ge [sflag:s2], $0xC000  }
0x8b: {  	[sflag:s2] =	ssyncset.done $0x0  }
0x8c: {  	[sflag:s2] =	ssyncadd.s32 $0xFFFF4000  }
0x8d: {  	_ =	swait.ge [sflag:s2], $0xC000  }
0x8e: {  	[sflag:s2] =	ssyncset.done $0x0  }
0x8f: {  	[sflag:s2] =	ssyncadd.s32 $0xFFFF4000  }
0x90: {  	_ =	swait.ge [sflag:s2], $0xC000  }
0x91: {  	[sflag:s2] =	ssyncset.done $0x0  }
0x92: {  	[sflag:s2] =	ssyncadd.s32 $0xFFFF4000  }
0x93: {  	_ =	swait.ge [sflag:s2], $0xC000  }
0x94: {  	[sflag:s2] =	ssyncset.done $0x0  }
0x95: {  	[sflag:s2] =	ssyncadd.s32 $0xFFFF4000  }
0x96: {  	_ =	swait.ge [sflag:s2], $0xC000  }
0x97: {  	[sflag:s2] =	ssyncset.done $0x0  }
0x98: {  	[sflag:s2] =	ssyncadd.s32 $0xFFFF4000  }
0x99: {  	_ =	swait.ge [sflag:s2], $0xC000  }
0x9a: {  	[sflag:s2] =	ssyncset.done $0x0  }
0x9b: {  	[sflag:s2] =	ssyncadd.s32 $0xFFFF4000  }
0x9c: {  	_ =	swait.ge [sflag:s2], $0xC000  }
0x9d: {  	[sflag:s2] =	ssyncset.done $0x0  }
0x9e: {  	[sflag:s2] =	ssyncadd.s32 $0xFFFF4000  }
0x9f: {  	_ =	swait.ge [sflag:s2], $0xC000  }
0xa0: {  	[sflag:s2] =	ssyncset.done $0x0  }
0xa1: {  	[sflag:s2] =	ssyncadd.s32 $0xFFFF4000  }
0xa2: {  	_ =	swait.ge [sflag:s2], $0xC000  }
0xa3: {  	[sflag:s2] =	ssyncset.done $0x0  }
0xa4: {  	[sflag:s2] =	ssyncadd.s32 $0xFFFF4000  }
0xa5: {  	_ =	swait.ge [sflag:s2], $0xC000  }
0xa6: {  	[sflag:s2] =	ssyncset.done $0x0  }
0xa7: {  	[sflag:s2] =	ssyncadd.s32 $0xFFFF4000  }
0xa8: {  	_ =	swait.ge [sflag:s2], $0xC000  }
0xa9: {  	[sflag:s2] =	ssyncset.done $0x0  }
0xaa: {  	[sflag:s2] =	ssyncadd.s32 $0xFFFF4000  }
0xab: {  	_ =	swait.ge [sflag:s2], $0xC000  }
0xac: {  	[sflag:s2] =	ssyncset.done $0x0  }
0xad: {  	[sflag:s2] =	ssyncadd.s32 $0xFFFF4000  }
0xae: {  	_ =	swait.ge [sflag:s2], $0xC000  }
0xaf: {  	[sflag:s2] =	ssyncset.done $0x0  }
0xb0: {  	[sflag:s2] =	ssyncadd.s32 $0xFFFF4000  }
0xb1: {  	_ =	swait.ge [sflag:s2], $0xC000  }
0xb2: {  	[sflag:s2] =	ssyncset.done $0x0  }
0xb3: {  	[sflag:s2] =	ssyncadd.s32 $0xFFFF4000  }
0xb4: {  	_ =	swait.ge [sflag:s2], $0xC000  }
0xb5: {  	s1 =	rddreg [dreg:$0xa]  }
0xb6: {  	p1 =	sne.s32 s1, $0x1  }
.Ltmp1:
0xb7: {  	_ = 	snop;
	(pc) =	sbr.rel @!p1 .LBB2_3-.Ltmp1, $4  }
0xb8: {  	[sflag:s2] =	ssyncset.done $0x0  }
0xb9: {  	[sflag:s2] =	ssyncadd.s32 $0xFFFF4000  }
0xba: {  	p0 =	por $0x1, $0x1;
	_ =	swait.ge [sflag:s2], $0xC000  }
0xbb: {  	s1 =	sadd.s32 $0xFFFFFFFF, s1;
	s0 =	rddreg [dreg:$0x3];
	[sflag:s2] =	ssyncset.done $0x0  }
.LBB2_2:
0xbc: {  	[sflag:s2] =	ssyncadd.s32 $0xFFFF4000  }
0xbd: {  	[tilespmem:s3], [sflag:$0x2] =	stream.linear.gather [hbm4b:s0+s3], $0xC000, $0x38;
	[tilespmem:$0xC000] =	vst v63  }
0xbe: {  	_ =	swait.ge [sflag:s31], $0xC000  }
0xbf: {  	[sflag:s31] =	ssyncset.done $0x0  }
0xc0: {  	s0 =	rddreg [dreg:$0x4];
	[sflag:s31] =	ssyncadd.s32 $0xFFFF4000  }
0xc1: {  	s31 =	smov.u32 s30;
	s30 =	smov.u32 s29;
	s29 =	smov.u32 s28  }
0xc2: {  	[hbm4b:s4+s3] =	stream.linear.scatter [tilespmem:s3], [sflag:$0x1], $0xC000, $0x38;
	[tilespmem:$0xC000] =	vst v63  }
0xc3: {  	s28 =	smov.u32 s26;
	s26 =	smov.u32 s4;
	s4 =	smov.u32 s25  }
0xc4: {  	s25 =	smov.u32 s24;
	s24 =	smov.u32 s23;
	s23 =	smov.u32 s22  }
0xc5: {  	s22 =	smov.u32 s21;
	s21 =	smov.u32 s20;
	s20 =	smov.u32 s19  }
0xc6: {  	s19 =	smov.u32 s18;
	s18 =	smov.u32 s17;
	s17 =	smov.u32 s16  }
0xc7: {  	s16 =	smov.u32 s15;
	s15 =	smov.u32 s14;
	s14 =	smov.u32 s13  }
0xc8: {  	s13 =	smov.u32 s12;
	s12 =	smov.u32 s11;
	s11 =	smov.u32 s10  }
0xc9: {  	s10 =	smov.u32 s9;
	s9 =	smov.u32 s8;
	s8 =	smov.u32 s7  }
0xca: {  	[hbm4b:s0+s3] =	stream.linear.scatter [tilespmem:s3], [sflag:$0x1], $0xC000, $0x38;
	[tilespmem:$0xC000] =	vst v63  }
0xcb: {  	s7 =	smov.u32 s6;
	s6 =	smov.u32 s5;
	s5 =	rddreg [dreg:$0x5]  }
0xcc: {  	[hbm4b:s5+s3] =	stream.linear.scatter [tilespmem:s3], [sflag:$0x1], $0xC000, $0x38;
	[tilespmem:$0xC000] =	vst v63  }
0xcd: {  	s0 =	rddreg [dreg:$0x6]  }
0xce: {  	[hbm4b:s0+s3] =	stream.linear.scatter [tilespmem:s3], [sflag:$0x1], $0xC000, $0x38;
	[tilespmem:$0xC000] =	vst v63  }
0xcf: {  	s5 =	rddreg [dreg:$0x7]  }
0xd0: {  	[hbm4b:s5+s3] =	stream.linear.scatter [tilespmem:s3], [sflag:$0x1], $0xC000, $0x38;
	[tilespmem:$0xC000] =	vst v63  }
0xd1: {  	s0 =	rddreg [dreg:$0x8]  }
0xd2: {  	[hbm4b:s0+s3] =	stream.linear.scatter [tilespmem:s3], [sflag:$0x1], $0xC000, $0x38;
	[tilespmem:$0xC000] =	vst v63  }
0xd3: {  	s5 =	rddreg [dreg:$0x9]  }
0xd4: {  	[hbm4b:s5+s3] =	stream.linear.scatter [tilespmem:s3], [sflag:$0x1], $0xC000, $0x38;
	[tilespmem:$0xC000] =	vst v63  }
0xd5: {  	s5 =	smov.u32 s6;
	s6 =	smov.u32 s7  }
0xd6: {  	s7 =	smov.u32 s8;
	s8 =	smov.u32 s9;
	s9 =	smov.u32 s10  }
0xd7: {  	s10 =	smov.u32 s11;
	s11 =	smov.u32 s12;
	s12 =	smov.u32 s13  }
0xd8: {  	s13 =	smov.u32 s14;
	s14 =	smov.u32 s15;
	s15 =	smov.u32 s16  }
0xd9: {  	s16 =	smov.u32 s17;
	s17 =	smov.u32 s18;
	s18 =	smov.u32 s19  }
0xda: {  	s19 =	smov.u32 s20;
	s20 =	smov.u32 s21;
	s21 =	smov.u32 s22  }
0xdb: {  	s22 =	smov.u32 s23;
	s23 =	smov.u32 s24;
	s24 =	smov.u32 s25  }
0xdc: {  	s25 =	smov.u32 s4;
	s4 =	smov.u32 s26;
	s26 =	smov.u32 s28  }
0xdd: {  	[hbm4b:s26+s3] =	stream.linear.scatter [tilespmem:s3], [sflag:$0x1], $0xC000, $0x38;
	[tilespmem:$0xC000] =	vst v63  }
0xde: {  	s28 =	smov.u32 s29  }
0xdf: {  	[hbm4b:s28+s3] =	stream.linear.scatter [tilespmem:s3], [sflag:$0x1], $0xC000, $0x38;
	[tilespmem:$0xC000] =	vst v63  }
0xe0: {  	s29 =	smov.u32 s30  }
0xe1: {  	[hbm4b:s29+s3] =	stream.linear.scatter [tilespmem:s3], [sflag:$0x1], $0xC000, $0x38;
	[tilespmem:$0xC000] =	vst v63  }
0xe2: {  	s30 =	smov.u32 s31  }
0xe3: {  	[hbm4b:s30+s3] =	stream.linear.scatter [tilespmem:s3], [sflag:$0x1], $0xC000, $0x38;
	[tilespmem:$0xC000] =	vst v63  }
0xe4: {  	_ = 	snop  }
0xe5: {  	[hbm4b:s5+s3] =	stream.linear.scatter [tilespmem:s3], [sflag:$0x1], $0xC000, $0x38;
	[tilespmem:$0xC000] =	vst v63  }
0xe6: {  	_ = 	snop  }
0xe7: {  	[hbm4b:s6+s3] =	stream.linear.scatter [tilespmem:s3], [sflag:$0x1], $0xC000, $0x38;
	[tilespmem:$0xC000] =	vst v63  }
0xe8: {  	_ = 	snop  }
0xe9: {  	[hbm4b:s7+s3] =	stream.linear.scatter [tilespmem:s3], [sflag:$0x1], $0xC000, $0x38;
	[tilespmem:$0xC000] =	vst v63  }
0xea: {  	_ = 	snop  }
0xeb: {  	[hbm4b:s8+s3] =	stream.linear.scatter [tilespmem:s3], [sflag:$0x1], $0xC000, $0x38;
	[tilespmem:$0xC000] =	vst v63  }
0xec: {  	_ = 	snop  }
0xed: {  	[hbm4b:s9+s3] =	stream.linear.scatter [tilespmem:s3], [sflag:$0x1], $0xC000, $0x38;
	[tilespmem:$0xC000] =	vst v63  }
0xee: {  	_ = 	snop  }
0xef: {  	[hbm4b:s10+s3] =	stream.linear.scatter [tilespmem:s3], [sflag:$0x1], $0xC000, $0x38;
	[tilespmem:$0xC000] =	vst v63  }
0xf0: {  	_ = 	snop  }
0xf1: {  	[hbm4b:s11+s3] =	stream.linear.scatter [tilespmem:s3], [sflag:$0x1], $0xC000, $0x38;
	[tilespmem:$0xC000] =	vst v63  }
0xf2: {  	_ = 	snop  }
0xf3: {  	[hbm4b:s12+s3] =	stream.linear.scatter [tilespmem:s3], [sflag:$0x1], $0xC000, $0x38;
	[tilespmem:$0xC000] =	vst v63  }
0xf4: {  	_ = 	snop  }
0xf5: {  	[hbm4b:s13+s3] =	stream.linear.scatter [tilespmem:s3], [sflag:$0x1], $0xC000, $0x38;
	[tilespmem:$0xC000] =	vst v63  }
0xf6: {  	_ = 	snop  }
0xf7: {  	[hbm4b:s14+s3] =	stream.linear.scatter [tilespmem:s3], [sflag:$0x1], $0xC000, $0x38;
	[tilespmem:$0xC000] =	vst v63  }
0xf8: {  	_ = 	snop  }
0xf9: {  	[hbm4b:s15+s3] =	stream.linear.scatter [tilespmem:s3], [sflag:$0x1], $0xC000, $0x38;
	[tilespmem:$0xC000] =	vst v63  }
0xfa: {  	_ = 	snop  }
0xfb: {  	[hbm4b:s16+s3] =	stream.linear.scatter [tilespmem:s3], [sflag:$0x1], $0xC000, $0x38;
	[tilespmem:$0xC000] =	vst v63  }
0xfc: {  	_ = 	snop  }
0xfd: {  	[hbm4b:s17+s3] =	stream.linear.scatter [tilespmem:s3], [sflag:$0x1], $0xC000, $0x38;
	[tilespmem:$0xC000] =	vst v63  }
0xfe: {  	_ = 	snop  }
0xff: {  	[hbm4b:s18+s3] =	stream.linear.scatter [tilespmem:s3], [sflag:$0x1], $0xC000, $0x38;
	[tilespmem:$0xC000] =	vst v63  }
0x100: {  	_ = 	snop  }
0x101: {  	[hbm4b:s19+s3] =	stream.linear.scatter [tilespmem:s3], [sflag:$0x1], $0xC000, $0x38;
	[tilespmem:$0xC000] =	vst v63  }
0x102: {  	_ = 	snop  }
0x103: {  	[hbm4b:s20+s3] =	stream.linear.scatter [tilespmem:s3], [sflag:$0x1], $0xC000, $0x38;
	[tilespmem:$0xC000] =	vst v63  }
0x104: {  	_ = 	snop  }
0x105: {  	[hbm4b:s21+s3] =	stream.linear.scatter [tilespmem:s3], [sflag:$0x1], $0xC000, $0x38;
	[tilespmem:$0xC000] =	vst v63  }
0x106: {  	_ = 	snop  }
0x107: {  	[hbm4b:s22+s3] =	stream.linear.scatter [tilespmem:s3], [sflag:$0x1], $0xC000, $0x38;
	[tilespmem:$0xC000] =	vst v63  }
0x108: {  	_ = 	snop  }
0x109: {  	[hbm4b:s23+s3] =	stream.linear.scatter [tilespmem:s3], [sflag:$0x1], $0xC000, $0x38;
	[tilespmem:$0xC000] =	vst v63  }
0x10a: {  	_ = 	snop  }
0x10b: {  	[hbm4b:s24+s3] =	stream.linear.scatter [tilespmem:s3], [sflag:$0x1], $0xC000, $0x38;
	[tilespmem:$0xC000] =	vst v63  }
0x10c: {  	_ = 	snop  }
0x10d: {  	[hbm4b:s25+s3] =	stream.linear.scatter [tilespmem:s3], [sflag:$0x1], $0xC000, $0x38;
	[tilespmem:$0xC000] =	vst v63  }
0x10e: {  	_ =	swait.ge [sflag:s2], $0xC000  }
0x10f: {  	[sflag:s2] =	ssyncset.done $0x0  }
0x110: {  	[sflag:s2] =	ssyncadd.s32 $0xFFFF4000  }
0x111: {  	_ =	swait.ge [sflag:s2], $0xC000  }
0x112: {  	[sflag:s2] =	ssyncset.done $0x0  }
0x113: {  	[sflag:s2] =	ssyncadd.s32 $0xFFFF4000  }
0x114: {  	_ =	swait.ge [sflag:s2], $0xC000  }
0x115: {  	[sflag:s2] =	ssyncset.done $0x0  }
0x116: {  	[sflag:s2] =	ssyncadd.s32 $0xFFFF4000  }
0x117: {  	_ =	swait.ge [sflag:s2], $0xC000  }
0x118: {  	[sflag:s2] =	ssyncset.done $0x0  }
0x119: {  	[sflag:s2] =	ssyncadd.s32 $0xFFFF4000  }
0x11a: {  	_ =	swait.ge [sflag:s2], $0xC000  }
0x11b: {  	[sflag:s2] =	ssyncset.done $0x0  }
0x11c: {  	[sflag:s2] =	ssyncadd.s32 $0xFFFF4000  }
0x11d: {  	_ =	swait.ge [sflag:s2], $0xC000  }
0x11e: {  	[sflag:s2] =	ssyncset.done $0x0  }
0x11f: {  	[sflag:s2] =	ssyncadd.s32 $0xFFFF4000  }
0x120: {  	_ =	swait.ge [sflag:s2], $0xC000  }
0x121: {  	[sflag:s2] =	ssyncset.done $0x0  }
0x122: {  	[sflag:s2] =	ssyncadd.s32 $0xFFFF4000  }
0x123: {  	_ =	swait.ge [sflag:s2], $0xC000  }
0x124: {  	[sflag:s2] =	ssyncset.done $0x0  }
0x125: {  	[sflag:s2] =	ssyncadd.s32 $0xFFFF4000  }
0x126: {  	_ =	swait.ge [sflag:s2], $0xC000  }
0x127: {  	[sflag:s2] =	ssyncset.done $0x0  }
0x128: {  	[sflag:s2] =	ssyncadd.s32 $0xFFFF4000  }
0x129: {  	_ =	swait.ge [sflag:s2], $0xC000  }
0x12a: {  	[sflag:s2] =	ssyncset.done $0x0  }
0x12b: {  	[sflag:s2] =	ssyncadd.s32 $0xFFFF4000  }
0x12c: {  	_ =	swait.ge [sflag:s2], $0xC000  }
0x12d: {  	[sflag:s2] =	ssyncset.done $0x0  }
0x12e: {  	[sflag:s2] =	ssyncadd.s32 $0xFFFF4000  }
0x12f: {  	_ =	swait.ge [sflag:s2], $0xC000  }
0x130: {  	[sflag:s2] =	ssyncset.done $0x0  }
0x131: {  	[sflag:s2] =	ssyncadd.s32 $0xFFFF4000  }
0x132: {  	_ =	swait.ge [sflag:s2], $0xC000  }
0x133: {  	[sflag:s2] =	ssyncset.done $0x0  }
0x134: {  	[sflag:s2] =	ssyncadd.s32 $0xFFFF4000  }
0x135: {  	_ =	swait.ge [sflag:s2], $0xC000  }
0x136: {  	[sflag:s2] =	ssyncset.done $0x0  }
0x137: {  	[sflag:s2] =	ssyncadd.s32 $0xFFFF4000  }
0x138: {  	_ =	swait.ge [sflag:s2], $0xC000  }
0x139: {  	[sflag:s2] =	ssyncset.done $0x0  }
0x13a: {  	[sflag:s2] =	ssyncadd.s32 $0xFFFF4000  }
0x13b: {  	_ =	swait.ge [sflag:s2], $0xC000  }
0x13c: {  	[sflag:s2] =	ssyncset.done $0x0  }
0x13d: {  	[sflag:s2] =	ssyncadd.s32 $0xFFFF4000  }
0x13e: {  	_ =	swait.ge [sflag:s2], $0xC000  }
0x13f: {  	[sflag:s2] =	ssyncset.done $0x0  }
0x140: {  	[sflag:s2] =	ssyncadd.s32 $0xFFFF4000  }
0x141: {  	_ =	swait.ge [sflag:s2], $0xC000  }
0x142: {  	[sflag:s2] =	ssyncset.done $0x0  }
0x143: {  	[sflag:s2] =	ssyncadd.s32 $0xFFFF4000  }
0x144: {  	_ =	swait.ge [sflag:s2], $0xC000  }
0x145: {  	[sflag:s2] =	ssyncset.done $0x0  }
0x146: {  	[sflag:s2] =	ssyncadd.s32 $0xFFFF4000  }
0x147: {  	_ =	swait.ge [sflag:s2], $0xC000  }
0x148: {  	[sflag:s2] =	ssyncset.done $0x0  }
0x149: {  	[sflag:s2] =	ssyncadd.s32 $0xFFFF4000  }
0x14a: {  	_ =	swait.ge [sflag:s2], $0xC000  }
0x14b: {  	[sflag:s2] =	ssyncset.done $0x0  }
0x14c: {  	[sflag:s2] =	ssyncadd.s32 $0xFFFF4000  }
0x14d: {  	_ =	swait.ge [sflag:s2], $0xC000  }
0x14e: {  	[sflag:s2] =	ssyncset.done $0x0  }
0x14f: {  	[sflag:s2] =	ssyncadd.s32 $0xFFFF4000  }
0x150: {  	_ =	swait.ge [sflag:s2], $0xC000  }
0x151: {  	[sflag:s2] =	ssyncset.done $0x0  }
0x152: {  	[sflag:s2] =	ssyncadd.s32 $0xFFFF4000  }
0x153: {  	_ =	swait.ge [sflag:s2], $0xC000  }
0x154: {  	[sflag:s2] =	ssyncset.done $0x0  }
0x155: {  	[sflag:s2] =	ssyncadd.s32 $0xFFFF4000  }
0x156: {  	_ =	swait.ge [sflag:s2], $0xC000  }
0x157: {  	[sflag:s2] =	ssyncset.done $0x0  }
0x158: {  	[sflag:s2] =	ssyncadd.s32 $0xFFFF4000  }
0x159: {  	_ =	swait.ge [sflag:s2], $0xC000  }
0x15a: {  	[sflag:s2] =	ssyncset.done $0x0  }
0x15b: {  	[sflag:s2] =	ssyncadd.s32 $0xFFFF4000  }
0x15c: {  	_ =	swait.ge [sflag:s2], $0xC000  }
0x15d: {  	[sflag:s2] =	ssyncset.done $0x0  }
0x15e: {  	[sflag:s2] =	ssyncadd.s32 $0xFFFF4000  }
0x15f: {  	_ =	swait.ge [sflag:s2], $0xC000  }
0x160: {  	[sflag:s2] =	ssyncset.done $0x0  }
0x161: {  	[sflag:s2] =	ssyncadd.s32 $0xFFFF4000  }
0x162: {  	_ =	swait.ge [sflag:s2], $0xC000  }
0x163: {  	[sflag:s2] =	ssyncset.done $0x0  }
0x164: {  	[sflag:s2] =	ssyncadd.s32 $0xFFFF4000  }
0x165: {  	_ =	swait.ge [sflag:s2], $0xC000  }
0x166: {  	[sflag:s2] =	ssyncset.done $0x0  }
0x167: {  	p1 =	sne.s32 s1, $0x1;
	[sflag:s2] =	ssyncadd.s32 $0xFFFF4000  }
.Ltmp2:
0x168: {  	_ =	swait.ge [sflag:s2], $0xC000;
	(pc) =	sbr.rel @p1 .LBB2_2-.Ltmp2, $4  }
0x169: {  	[sflag:s2] =	ssyncset.done $0x0  }
0x16a: {  	[sflag:s2] =	ssyncadd.s32 $0xFFFF4000  }
0x16b: {  	s1 =	sadd.s32 $0xFFFFFFFF, s1;
	_ =	swait.ge [sflag:s2], $0xC000  }
0x16c: {  	s31 =	simm.s32 $0x2;
	s0 =	rddreg [dreg:$0x3];
	[sflag:s2] =	ssyncset.done $0x0  }
.LBB2_3:
0x16d: {  	[sflag:s2] =	ssyncadd.s32 @p0 $0xFFFF4000  }
0x16e: {  	[tilespmem:s3], [sflag:$0x2] =	stream.linear.gather [hbm4b:s0+s3], $0xC000, $0x38;
	[tilespmem:$0xC000] =	vst v63  }
0x16f: {  	_ =	swait.ge [sflag:s31], $0xC000  }
0x170: {  	[sflag:s31] =	ssyncset.done $0x0  }
0x171: {  	[sflag:s31] =	ssyncadd.s32 $0xFFFF4000  }
0x172: {  	[hbm4b:s4+s3] =	stream.linear.scatter [tilespmem:s3], [sflag:$0x1], $0xC000, $0x38;
	[tilespmem:$0xC000] =	vst v63  }
0x173: {  	s31 =	rddreg [dreg:$0x4]  }
0x174: {  	[hbm4b:s31+s3] =	stream.linear.scatter [tilespmem:s3], [sflag:$0x1], $0xC000, $0x38;
	[tilespmem:$0xC000] =	vst v63  }
0x175: {  	s1 =	rddreg [dreg:$0x5]  }
0x176: {  	[hbm4b:s1+s3] =	stream.linear.scatter [tilespmem:s3], [sflag:$0x1], $0xC000, $0x38;
	[tilespmem:$0xC000] =	vst v63  }
0x177: {  	s31 =	rddreg [dreg:$0x6]  }
0x178: {  	[hbm4b:s31+s3] =	stream.linear.scatter [tilespmem:s3], [sflag:$0x1], $0xC000, $0x38;
	[tilespmem:$0xC000] =	vst v63  }
0x179: {  	s4 =	rddreg [dreg:$0x7]  }
0x17a: {  	[hbm4b:s4+s3] =	stream.linear.scatter [tilespmem:s3], [sflag:$0x1], $0xC000, $0x38;
	[tilespmem:$0xC000] =	vst v63  }
0x17b: {  	s31 =	rddreg [dreg:$0x8]  }
0x17c: {  	[hbm4b:s31+s3] =	stream.linear.scatter [tilespmem:s3], [sflag:$0x1], $0xC000, $0x38;
	[tilespmem:$0xC000] =	vst v63  }
0x17d: {  	s4 =	rddreg [dreg:$0x9]  }
0x17e: {  	[hbm4b:s4+s3] =	stream.linear.scatter [tilespmem:s3], [sflag:$0x1], $0xC000, $0x38;
	[tilespmem:$0xC000] =	vst v63  }
0x17f: {  	_ = 	snop  }
0x180: {  	[hbm4b:s26+s3] =	stream.linear.scatter [tilespmem:s3], [sflag:$0x1], $0xC000, $0x38;
	[tilespmem:$0xC000] =	vst v63  }
0x181: {  	_ = 	snop  }
0x182: {  	[hbm4b:s28+s3] =	stream.linear.scatter [tilespmem:s3], [sflag:$0x1], $0xC000, $0x38;
	[tilespmem:$0xC000] =	vst v63  }
0x183: {  	_ = 	snop  }
0x184: {  	[hbm4b:s29+s3] =	stream.linear.scatter [tilespmem:s3], [sflag:$0x1], $0xC000, $0x38;
	[tilespmem:$0xC000] =	vst v63  }
0x185: {  	_ = 	snop  }
0x186: {  	[hbm4b:s30+s3] =	stream.linear.scatter [tilespmem:s3], [sflag:$0x1], $0xC000, $0x38;
	[tilespmem:$0xC000] =	vst v63  }
0x187: {  	_ = 	snop  }
0x188: {  	[hbm4b:s5+s3] =	stream.linear.scatter [tilespmem:s3], [sflag:$0x1], $0xC000, $0x38;
	[tilespmem:$0xC000] =	vst v63  }
0x189: {  	_ = 	snop  }
0x18a: {  	[hbm4b:s6+s3] =	stream.linear.scatter [tilespmem:s3], [sflag:$0x1], $0xC000, $0x38;
	[tilespmem:$0xC000] =	vst v63  }
0x18b: {  	_ = 	snop  }
0x18c: {  	[hbm4b:s7+s3] =	stream.linear.scatter [tilespmem:s3], [sflag:$0x1], $0xC000, $0x38;
	[tilespmem:$0xC000] =	vst v63  }
0x18d: {  	_ = 	snop  }
0x18e: {  	[hbm4b:s8+s3] =	stream.linear.scatter [tilespmem:s3], [sflag:$0x1], $0xC000, $0x38;
	[tilespmem:$0xC000] =	vst v63  }
0x18f: {  	_ = 	snop  }
0x190: {  	[hbm4b:s9+s3] =	stream.linear.scatter [tilespmem:s3], [sflag:$0x1], $0xC000, $0x38;
	[tilespmem:$0xC000] =	vst v63  }
0x191: {  	_ = 	snop  }
0x192: {  	[hbm4b:s10+s3] =	stream.linear.scatter [tilespmem:s3], [sflag:$0x1], $0xC000, $0x38;
	[tilespmem:$0xC000] =	vst v63  }
0x193: {  	_ = 	snop  }
0x194: {  	[hbm4b:s11+s3] =	stream.linear.scatter [tilespmem:s3], [sflag:$0x1], $0xC000, $0x38;
	[tilespmem:$0xC000] =	vst v63  }
0x195: {  	_ = 	snop  }
0x196: {  	[hbm4b:s12+s3] =	stream.linear.scatter [tilespmem:s3], [sflag:$0x1], $0xC000, $0x38;
	[tilespmem:$0xC000] =	vst v63  }
0x197: {  	_ = 	snop  }
0x198: {  	[hbm4b:s13+s3] =	stream.linear.scatter [tilespmem:s3], [sflag:$0x1], $0xC000, $0x38;
	[tilespmem:$0xC000] =	vst v63  }
0x199: {  	_ = 	snop  }
0x19a: {  	[hbm4b:s14+s3] =	stream.linear.scatter [tilespmem:s3], [sflag:$0x1], $0xC000, $0x38;
	[tilespmem:$0xC000] =	vst v63  }
0x19b: {  	_ = 	snop  }
0x19c: {  	[hbm4b:s15+s3] =	stream.linear.scatter [tilespmem:s3], [sflag:$0x1], $0xC000, $0x38;
	[tilespmem:$0xC000] =	vst v63  }
0x19d: {  	_ = 	snop  }
0x19e: {  	[hbm4b:s16+s3] =	stream.linear.scatter [tilespmem:s3], [sflag:$0x1], $0xC000, $0x38;
	[tilespmem:$0xC000] =	vst v63  }
0x19f: {  	_ = 	snop  }
0x1a0: {  	[hbm4b:s17+s3] =	stream.linear.scatter [tilespmem:s3], [sflag:$0x1], $0xC000, $0x38;
	[tilespmem:$0xC000] =	vst v63  }
0x1a1: {  	_ = 	snop  }
0x1a2: {  	[hbm4b:s18+s3] =	stream.linear.scatter [tilespmem:s3], [sflag:$0x1], $0xC000, $0x38;
	[tilespmem:$0xC000] =	vst v63  }
0x1a3: {  	_ = 	snop  }
0x1a4: {  	[hbm4b:s19+s3] =	stream.linear.scatter [tilespmem:s3], [sflag:$0x1], $0xC000, $0x38;
	[tilespmem:$0xC000] =	vst v63  }
0x1a5: {  	_ = 	snop  }
0x1a6: {  	[hbm4b:s20+s3] =	stream.linear.scatter [tilespmem:s3], [sflag:$0x1], $0xC000, $0x38;
	[tilespmem:$0xC000] =	vst v63  }
0x1a7: {  	_ = 	snop  }
0x1a8: {  	[hbm4b:s21+s3] =	stream.linear.scatter [tilespmem:s3], [sflag:$0x1], $0xC000, $0x38;
	[tilespmem:$0xC000] =	vst v63  }
0x1a9: {  	_ = 	snop  }
0x1aa: {  	[hbm4b:s22+s3] =	stream.linear.scatter [tilespmem:s3], [sflag:$0x1], $0xC000, $0x38;
	[tilespmem:$0xC000] =	vst v63  }
0x1ab: {  	_ = 	snop  }
0x1ac: {  	[hbm4b:s23+s3] =	stream.linear.scatter [tilespmem:s3], [sflag:$0x1], $0xC000, $0x38;
	[tilespmem:$0xC000] =	vst v63  }
0x1ad: {  	_ = 	snop  }
0x1ae: {  	[hbm4b:s24+s3] =	stream.linear.scatter [tilespmem:s3], [sflag:$0x1], $0xC000, $0x38;
	[tilespmem:$0xC000] =	vst v63  }
0x1af: {  	_ = 	snop  }
0x1b0: {  	[hbm4b:s25+s3] =	stream.linear.scatter [tilespmem:s3], [sflag:$0x1], $0xC000, $0x38;
	[tilespmem:$0xC000] =	vst v63  }
0x1b1: {  	_ =	swait.ge [sflag:s2], $0xC000  }
0x1b2: {  	[sflag:s2] =	ssyncset.done $0x0  }
0x1b3: {  	[sflag:s2] =	ssyncadd.s32 $0xFFFF4000  }
0x1b4: {  	_ =	swait.ge [sflag:s2], $0xC000  }
0x1b5: {  	[sflag:s2] =	ssyncset.done $0x0  }
0x1b6: {  	[sflag:s2] =	ssyncadd.s32 $0xFFFF4000  }
0x1b7: {  	_ =	swait.ge [sflag:s2], $0xC000  }
0x1b8: {  	[sflag:s2] =	ssyncset.done $0x0  }
0x1b9: {  	[sflag:s2] =	ssyncadd.s32 $0xFFFF4000  }
0x1ba: {  	_ =	swait.ge [sflag:s2], $0xC000  }
0x1bb: {  	[sflag:s2] =	ssyncset.done $0x0  }
0x1bc: {  	[sflag:s2] =	ssyncadd.s32 $0xFFFF4000  }
0x1bd: {  	_ =	swait.ge [sflag:s2], $0xC000  }
0x1be: {  	[sflag:s2] =	ssyncset.done $0x0  }
0x1bf: {  	[sflag:s2] =	ssyncadd.s32 $0xFFFF4000  }
0x1c0: {  	_ =	swait.ge [sflag:s2], $0xC000  }
0x1c1: {  	[sflag:s2] =	ssyncset.done $0x0  }
0x1c2: {  	[sflag:s2] =	ssyncadd.s32 $0xFFFF4000  }
0x1c3: {  	_ =	swait.ge [sflag:s2], $0xC000  }
0x1c4: {  	[sflag:s2] =	ssyncset.done $0x0  }
0x1c5: {  	[sflag:s2] =	ssyncadd.s32 $0xFFFF4000  }
0x1c6: {  	_ =	swait.ge [sflag:s2], $0xC000  }
0x1c7: {  	[sflag:s2] =	ssyncset.done $0x0  }
0x1c8: {  	[sflag:s2] =	ssyncadd.s32 $0xFFFF4000  }
0x1c9: {  	_ =	swait.ge [sflag:s2], $0xC000  }
0x1ca: {  	[sflag:s2] =	ssyncset.done $0x0  }
0x1cb: {  	[sflag:s2] =	ssyncadd.s32 $0xFFFF4000  }
0x1cc: {  	_ =	swait.ge [sflag:s2], $0xC000  }
0x1cd: {  	[sflag:s2] =	ssyncset.done $0x0  }
0x1ce: {  	[sflag:s2] =	ssyncadd.s32 $0xFFFF4000  }
0x1cf: {  	_ =	swait.ge [sflag:s2], $0xC000  }
0x1d0: {  	[sflag:s2] =	ssyncset.done $0x0  }
0x1d1: {  	[sflag:s2] =	ssyncadd.s32 $0xFFFF4000  }
0x1d2: {  	_ =	swait.ge [sflag:s2], $0xC000  }
0x1d3: {  	[sflag:s2] =	ssyncset.done $0x0  }
0x1d4: {  	[sflag:s2] =	ssyncadd.s32 $0xFFFF4000  }
0x1d5: {  	_ =	swait.ge [sflag:s2], $0xC000  }
0x1d6: {  	[sflag:s2] =	ssyncset.done $0x0  }
0x1d7: {  	[sflag:s2] =	ssyncadd.s32 $0xFFFF4000  }
0x1d8: {  	_ =	swait.ge [sflag:s2], $0xC000  }
0x1d9: {  	[sflag:s2] =	ssyncset.done $0x0  }
0x1da: {  	[sflag:s2] =	ssyncadd.s32 $0xFFFF4000  }
0x1db: {  	_ =	swait.ge [sflag:s2], $0xC000  }
0x1dc: {  	[sflag:s2] =	ssyncset.done $0x0  }
0x1dd: {  	[sflag:s2] =	ssyncadd.s32 $0xFFFF4000  }
0x1de: {  	_ =	swait.ge [sflag:s2], $0xC000  }
0x1df: {  	[sflag:s2] =	ssyncset.done $0x0  }
0x1e0: {  	[sflag:s2] =	ssyncadd.s32 $0xFFFF4000  }
0x1e1: {  	_ =	swait.ge [sflag:s2], $0xC000  }
0x1e2: {  	[sflag:s2] =	ssyncset.done $0x0  }
0x1e3: {  	[sflag:s2] =	ssyncadd.s32 $0xFFFF4000  }
0x1e4: {  	_ =	swait.ge [sflag:s2], $0xC000  }
0x1e5: {  	[sflag:s2] =	ssyncset.done $0x0  }
0x1e6: {  	[sflag:s2] =	ssyncadd.s32 $0xFFFF4000  }
0x1e7: {  	_ =	swait.ge [sflag:s2], $0xC000  }
0x1e8: {  	[sflag:s2] =	ssyncset.done $0x0  }
0x1e9: {  	[sflag:s2] =	ssyncadd.s32 $0xFFFF4000  }
0x1ea: {  	_ =	swait.ge [sflag:s2], $0xC000  }
0x1eb: {  	[sflag:s2] =	ssyncset.done $0x0  }
0x1ec: {  	[sflag:s2] =	ssyncadd.s32 $0xFFFF4000  }
0x1ed: {  	_ =	swait.ge [sflag:s2], $0xC000  }
0x1ee: {  	[sflag:s2] =	ssyncset.done $0x0  }
0x1ef: {  	[sflag:s2] =	ssyncadd.s32 $0xFFFF4000  }
0x1f0: {  	_ =	swait.ge [sflag:s2], $0xC000  }
0x1f1: {  	[sflag:s2] =	ssyncset.done $0x0  }
0x1f2: {  	[sflag:s2] =	ssyncadd.s32 $0xFFFF4000  }
0x1f3: {  	_ =	swait.ge [sflag:s2], $0xC000  }
0x1f4: {  	[sflag:s2] =	ssyncset.done $0x0  }
0x1f5: {  	[sflag:s2] =	ssyncadd.s32 $0xFFFF4000  }
0x1f6: {  	_ =	swait.ge [sflag:s2], $0xC000  }
0x1f7: {  	[sflag:s2] =	ssyncset.done $0x0  }
0x1f8: {  	[sflag:s2] =	ssyncadd.s32 $0xFFFF4000  }
0x1f9: {  	_ =	swait.ge [sflag:s2], $0xC000  }
0x1fa: {  	[sflag:s2] =	ssyncset.done $0x0  }
0x1fb: {  	[sflag:s2] =	ssyncadd.s32 $0xFFFF4000  }
0x1fc: {  	_ =	swait.ge [sflag:s2], $0xC000  }
0x1fd: {  	[sflag:s2] =	ssyncset.done $0x0  }
0x1fe: {  	[sflag:s2] =	ssyncadd.s32 $0xFFFF4000  }
0x1ff: {  	_ =	swait.ge [sflag:s2], $0xC000  }
0x200: {  	[sflag:s2] =	ssyncset.done $0x0  }
0x201: {  	[sflag:s2] =	ssyncadd.s32 $0xFFFF4000  }
0x202: {  	_ =	swait.ge [sflag:s2], $0xC000  }
0x203: {  	[sflag:s2] =	ssyncset.done $0x0  }
0x204: {  	[sflag:s2] =	ssyncadd.s32 $0xFFFF4000  }
0x205: {  	_ =	swait.ge [sflag:s2], $0xC000  }
0x206: {  	[sflag:s2] =	ssyncset.done $0x0  }
0x207: {  	[sflag:s2] =	ssyncadd.s32 $0xFFFF4000  }
0x208: {  	_ =	swait.ge [sflag:s2], $0xC000  }
0x209: {  	[sflag:s2] =	ssyncset.done $0x0  }
0x20a: {  	[sflag:s2] =	ssyncadd.s32 $0xFFFF4000  }
0x20b: {  	_ =	swait.ge [sflag:s2], $0xC000  }
0x20c: {  	[sflag:s2] =	ssyncset.done $0x0  }
0x20d: {  	[sflag:s2] =	ssyncadd.s32 $0xFFFF4000  }
0x20e: {  	_ =	swait.ge [sflag:s2], $0xC000  }
0x20f: {  	[sflag:s2] =	ssyncset.done $0x0  }
0x210: {  	[sflag:s2] =	ssyncadd.s32 $0xFFFF4000  }
0x211: {  	_ =	sfence.sel $0x180000  }
0x212: {  	[bflag:$0x0] =	sbarrier.arrive $0xFFFF  }
0x213: {  	_ =	strace $0x90000047  }
0x214: {  	s31 =	stileid.u32;
	[bflag:$0x2] =	sbarrier.arrive $0xFFFF  }
0x215: {  	p0 =	sne.s32 s31, $0x0;
	s0 =	rddreg [dreg:$0x2]  }
0x216: {  	s0 =	sadd.s32 @!p0 $0x100000, s0  }
0x217: {  	[sflag:s0] =	ssyncadd.tile.s32 @!p0 $0x1;
	_ =	shalt  }
.Lfunc_end2:
_tile_overlayer_lowered:
.L_overlay_start_2:
0x218: {  	(tag) =	ssettag $0x2  }
0x219: {  	s0 =	rddreg [dreg:$0x0];
	s2 =	stileid.u32  }
0x21a: {  	s1 =	rddreg [dreg:$0x1];
	p0 =	sne.s32 s2, $0x0  }
0x21b: {  	s3 =	rddreg [dreg:$0x2];
	[bflag:$0x3] =	sbarrier.arrive $0xFFFF;
	s2 =	simm.s32 @!p0 $0x1C02  }
0x21c: {  	[timem:s3], [sflag:s2] =	dma.local @!p0 [hbm:s0], s1  }
0x21d: {  	s0 =	simm.s32 @!p0 $0x2  }
0x21e: {  	_ =	swait.ge @!p0 [sflag:s0], s1  }
0x21f: {  	s1 =	ssub.s32 @!p0 $0x0, s1;
	[sflag:s0] =	ssyncset.done @!p0 $0x0  }
0x220: {  	[sflag:s0] =	ssyncadd.s32 @!p0 s1  }
0x221: {  	[bflag:$0x3] =	sbarrier.arrive $0xFFFF  }
0x222: {  	_ =	shalt  }

</sc_bundles>
